<compile_context>
chip_gen: v7x
topology: tpu7x:2x2x1
jax: 0.10.2.dev20260603
libtpu: 0.0.44.dev20260713+nightly
codegen_flags: <defaults>
</compile_context>

<pallas_src>
import math
import jax
import jax.numpy as jnp
from jax import lax
from jax.experimental import pallas as pl
from jax.experimental.pallas import tpu as pltpu
from jax.experimental.pallas import tpu_sc as plsc

D_MODEL = 64
VOCAB = 1000000
SCALE = math.sqrt(D_MODEL)

NC = 2
NS = 16
NW = NC * NS
CHUNK = 128
NB = 4

VB = 16384
HB = VB // 2
SH = HB.bit_length() - 1
N_FULL = VOCAB // VB
TAIL = VOCAB - N_FULL * VB
VOCAB_PAD = (N_FULL + 1) * VB


def _transpose_scale(lut_t, lut_tail):

    def tr(m):
        eye = jnp.eye(D_MODEL, dtype=jnp.bfloat16) * jnp.bfloat16(SCALE)
        return lax.dot_general(
            m.astype(jnp.bfloat16), eye, (((0,), (0,)), ((), ())),
            preferred_element_type=jnp.float32,
        )

    def body(in_ref, tail_ref, out_ref):
        i = pl.program_id(0)
        t = in_ref[...]
        left = tr(t[:, : VB // 2])
        right = tr(t[:, VB // 2 :])
        out_ref[...] = jnp.concatenate([left, right], axis=1)

        @pl.when(i == N_FULL)
        def _():
            tt = tr(tail_ref[...])
            out_ref[pl.ds(0, TAIL), :] = jnp.concatenate([tt, tt], axis=1)

    return pl.pallas_call(
        body,
        grid=(N_FULL + 1,),
        in_specs=[
            pl.BlockSpec((D_MODEL, VB), lambda i: (0, i)),
            pl.BlockSpec((D_MODEL, TAIL), lambda i: (0, 0)),
        ],
        out_specs=pl.BlockSpec((VB // 2, 128), lambda i: (i, 0)),
        out_shape=jax.ShapeDtypeStruct((VOCAB_PAD // 2, 128), jnp.float32),
    )(lut_t, lut_tail)


S_DIM = 200
B_DIM = 4096
BH = B_DIM // 128


def _make_gather():
    n_units = S_DIM * BH // NW
    n_outer = n_units // NB
    mesh = plsc.VectorSubcoreMesh(core_axis_name="c", subcore_axis_name="s")

    @pl.kernel(
        out_type=jax.ShapeDtypeStruct((B_DIM * S_DIM, 2 * D_MODEL), jnp.float32),
        mesh=mesh,
        scratch_types=[
            pltpu.VMEM((n_units, CHUNK), jnp.int32),
            pltpu.VMEM((NB, CHUNK, D_MODEL), jnp.float32),
            pltpu.VMEM((NB, CHUNK, 2 * D_MODEL), jnp.float32),
            pltpu.SemaphoreType.DMA((NB,)),
            pltpu.SemaphoreType.DMA((NB,)),
        ],
        compiler_params=pltpu.CompilerParams(use_tc_tiling_on_sc=False, needs_layout_passes=False),
    )
    def body(x_hbm, lut_hbm, out_hbm, idx_v, gbuf, sbuf, gsem, ssem):
        wid = lax.axis_index("s") * NC + lax.axis_index("c")
        ubase = wid * n_units
        pltpu.sync_copy(x_hbm.at[pl.ds(ubase, n_units)], idx_v)

        @plsc.parallel_loop(0, n_units)
        def xform(j):
            for l in range(CHUNK // 16):
                sl = pl.ds(16 * l, 16)
                v = idx_v[j, sl]
                idx_v[j, sl] = (
                    (v & jnp.int32(~(VB - 1)))
                    | ((v & jnp.int32(HB - 1)) << 1)
                    | ((v >> SH) & jnp.int32(1))
                )

        def gather(j, b):
            return pltpu.make_async_copy(
                lut_hbm.at[idx_v.at[j]], gbuf.at[b], gsem.at[b]
            )

        def store(j, b):
            return pltpu.make_async_copy(
                sbuf.at[b],
                out_hbm.at[pl.ds((ubase + j) * CHUNK, CHUNK)],
                ssem.at[b],
            )

        for b in range(NB):
            gather(b, b).start()

        def outer(o, _):
            for b in range(NB):
                j = o * NB + b
                gather(j, b).wait()

                @pl.when(o >= 1)
                def _():
                    store(j - NB, b).wait()

                @plsc.parallel_loop(0, CHUNK, unroll=4)
                def copy_row(bl):
                    for g in range(4):
                        sl = pl.ds(16 * g, 16)
                        sbuf[b, bl, sl] = gbuf[b, bl, sl]

                store(j, b).start()

                @pl.when(o < n_outer - 1)
                def _():
                    gather(j + NB, b).start()

            return 0

        lax.fori_loop(0, n_outer, outer, 0)

        for b in range(NB):
            store((n_outer - 1) * NB + b, b).wait()

    return body


def kernel(x, lut):
    lut_t = lut.T
    lut_tail = lax.slice(lut_t, (0, N_FULL * VB), (D_MODEL, VOCAB))
    lutp = _transpose_scale(lut_t, lut_tail)
    lut_lin = jnp.reshape(lutp, (VOCAB_PAD, D_MODEL))
    x_units = x.reshape(S_DIM * BH, CHUNK)
    outp = _make_gather()(x_units, lut_lin)
    return outp.reshape(B_DIM, S_DIM, 2 * D_MODEL)[:, :, :D_MODEL]

# --- scband reference (transcript-rebuilt; emitter-appended) ---
"""Pipeline reference for scband-embedding-32418413150730 (READ-ONLY COPY).

The authoritative reference and input builder live on the scoring server;
editing this copy changes nothing except your own understanding.
"""

import math
import jax, jax.numpy as jnp
import numpy as np

D_MODEL = 64
VOCAB = 1000000

def setup_inputs(seed: int = 0) -> dict:
    key = jax.random.key(seed)
    k1, k2 = jax.random.split(key)
    x = jax.random.randint(k1, (4096, 200), 0, VOCAB, dtype=jnp.int32)
    lut = jax.random.normal(k2, (VOCAB, D_MODEL), dtype=jnp.float32)
    return {"x": x, "lut": lut}

def reference(x, lut):
    # nn.Embedding lookup followed by scaling by sqrt(d_model)
    emb = jnp.take(lut, x, axis=0)
    return emb * math.sqrt(D_MODEL)

if __name__ == "__main__":
    import jax
    _d = setup_inputs()
    print(jax.jit(kernel)(*tuple(_d.values())))

</pallas_src>

<mosaic_0001>
#map = affine_map<(d0, d1) -> (0, 0)>
module attributes {stable_mosaic.version = 14 : i64} {
  func.func @body(%arg0: i32, %arg1: i32, %arg2: memref<6400x128xi32, #tpu.memory_space<hbm>>, %arg3: memref<1015808x64xf32, #tpu.memory_space<hbm>>, %arg4: memref<819200x128xf32, #tpu.memory_space<hbm>>, %arg5: memref<200x128xi32, #tpu.memory_space<vmem>>, %arg6: memref<4x128x64xf32, #tpu.memory_space<vmem>>, %arg7: memref<4x128x128xf32, #tpu.memory_space<vmem>>, %arg8: memref<4x!tpu.dma_semaphore, #tpu.memory_space<semaphore_mem>>, %arg9: memref<4x!tpu.dma_semaphore, #tpu.memory_space<semaphore_mem>>) attributes {dimension_semantics = [#tpu.dimension_semantics<core_parallel>, #tpu.dimension_semantics<subcore_parallel>], iteration_bounds = array<i64: 2, 16>, scalar_prefetch = 0 : i64, scratch_operands = 5 : i64, tpu.core_type = #tpu.core_type<sc_vector_subcore>, window_params = [{transform_indices = #map}, {transform_indices = #map}, {transform_indices = #map}]} {
    %mul3A = arith.constant 2 : i32
    %mul3A_0 = arith.muli %arg1, %mul3A : i32
    %add3A = arith.addi %mul3A_0, %arg0 : i32
    %mul3A_1 = arith.constant 200 : i32
    %mul3A_2 = arith.muli %add3A, %mul3A_1 : i32
    "tpu.region"() ({
      %run_scoped3A = tpu.sem_alloc : memref<!tpu.dma_semaphore, #tpu.memory_space<semaphore_mem>>
      %dma_start3A_149 = arith.constant 0 : i32
      %dma_start3A_150 = tpu.memref_slice %arg2[%mul3A_2, %dma_start3A_149] : memref<6400x128xi32, #tpu.memory_space<hbm>> -> memref<200x128xi32, #tpu.memory_space<hbm>>
      %dma_start3A_151 = arith.constant 0 : i32
      %dma_start3A_152 = tpu.memref_slice %arg2[%mul3A_2, %dma_start3A_151] : memref<6400x128xi32, #tpu.memory_space<hbm>> -> memref<200x128xi32, #tpu.memory_space<hbm>>
      tpu.enqueue_dma source(%dma_start3A_152 : memref<200x128xi32, #tpu.memory_space<hbm>>) target(%arg5 : memref<200x128xi32, #tpu.memory_space<vmem>>) target_semaphore(%run_scoped3A : memref<!tpu.dma_semaphore, #tpu.memory_space<semaphore_mem>>)
      %dma_wait3A_153 = arith.constant 0 : i32
      %dma_wait3A_154 = tpu.memref_slice %arg2[%mul3A_2, %dma_wait3A_153] : memref<6400x128xi32, #tpu.memory_space<hbm>> -> memref<200x128xi32, #tpu.memory_space<hbm>>
      %dma_wait3A_155 = arith.constant 0 : i32
      %dma_wait3A_156 = tpu.memref_slice %arg2[%mul3A_2, %dma_wait3A_155] : memref<6400x128xi32, #tpu.memory_space<hbm>> -> memref<200x128xi32, #tpu.memory_space<hbm>>
      tpu.wait_dma2 semaphore(%run_scoped3A : memref<!tpu.dma_semaphore, #tpu.memory_space<semaphore_mem>>) src(%dma_wait3A_156 : memref<200x128xi32, #tpu.memory_space<hbm>>) dst(%arg5 : memref<200x128xi32, #tpu.memory_space<vmem>>)
      tpu.yield
    }) : () -> ()
    %parallel_loop3A = arith.constant 0 : i32
    %parallel_loop3A_3 = arith.constant 200 : i32
    %parallel_loop3A_4 = arith.constant 1 : i32
    scf.for %parallel_loop3A_149 = %parallel_loop3A to %parallel_loop3A_3 step %parallel_loop3A_4  : i32 {
      %parallel_loop3A_150 = arith.index_cast %parallel_loop3A_149 : i32 to index
      %parallel_loop3A_151 = arith.constant 0 : index
      %parallel_loop3A_152 = tpu.vector_load %arg5[%parallel_loop3A_150, %parallel_loop3A_151] {strides = array<i32>} : memref<200x128xi32, #tpu.memory_space<vmem>>, vector<16xi32>,
      %parallel_loop3A_153 = arith.constant -16384 : i32
      %parallel_loop3A_154 = vector.broadcast %parallel_loop3A_153 : i32 to vector<16xi32>
      %parallel_loop3A_155 = arith.andi %parallel_loop3A_152, %parallel_loop3A_154 : vector<16xi32>
      %parallel_loop3A_156 = arith.constant 8191 : i32
      %parallel_loop3A_157 = vector.broadcast %parallel_loop3A_156 : i32 to vector<16xi32>
      %parallel_loop3A_158 = arith.andi %parallel_loop3A_152, %parallel_loop3A_157 : vector<16xi32>
      %parallel_loop3A_159 = arith.constant 1 : i32
      %parallel_loop3A_160 = vector.broadcast %parallel_loop3A_159 : i32 to vector<16xi32>
      %parallel_loop3A_161 = arith.shli %parallel_loop3A_158, %parallel_loop3A_160 : vector<16xi32>
      %parallel_loop3A_162 = arith.ori %parallel_loop3A_155, %parallel_loop3A_161 : vector<16xi32>
      %parallel_loop3A_163 = arith.constant 13 : i32
      %parallel_loop3A_164 = vector.broadcast %parallel_loop3A_163 : i32 to vector<16xi32>
      %parallel_loop3A_165 = arith.shrsi %parallel_loop3A_152, %parallel_loop3A_164 : vector<16xi32>
      %parallel_loop3A_166 = arith.constant 1 : i32
      %parallel_loop3A_167 = vector.broadcast %parallel_loop3A_166 : i32 to vector<16xi32>
      %parallel_loop3A_168 = arith.andi %parallel_loop3A_165, %parallel_loop3A_167 : vector<16xi32>
      %parallel_loop3A_169 = arith.ori %parallel_loop3A_162, %parallel_loop3A_168 : vector<16xi32>
      %parallel_loop3A_170 = arith.index_cast %parallel_loop3A_149 : i32 to index
      %parallel_loop3A_171 = arith.constant 0 : index
      %parallel_loop3A_172 = tpu.vector_load %arg5[%parallel_loop3A_170, %parallel_loop3A_171] {strides = array<i32>} : memref<200x128xi32, #tpu.memory_space<vmem>>, vector<16xi32>,
      tpu.vector_store %arg5[%parallel_loop3A_170, %parallel_loop3A_171], %parallel_loop3A_169 {strides = array<i32>} : memref<200x128xi32, #tpu.memory_space<vmem>>, vector<16xi32>,
      %parallel_loop3A_173 = arith.index_cast %parallel_loop3A_149 : i32 to index
      %parallel_loop3A_174 = arith.constant 16 : index
      %parallel_loop3A_175 = tpu.vector_load %arg5[%parallel_loop3A_173, %parallel_loop3A_174] {strides = array<i32>} : memref<200x128xi32, #tpu.memory_space<vmem>>, vector<16xi32>,
      %parallel_loop3A_176 = arith.constant -16384 : i32
      %parallel_loop3A_177 = vector.broadcast %parallel_loop3A_176 : i32 to vector<16xi32>
      %parallel_loop3A_178 = arith.andi %parallel_loop3A_175, %parallel_loop3A_177 : vector<16xi32>
      %parallel_loop3A_179 = arith.constant 8191 : i32
      %parallel_loop3A_180 = vector.broadcast %parallel_loop3A_179 : i32 to vector<16xi32>
      %parallel_loop3A_181 = arith.andi %parallel_loop3A_175, %parallel_loop3A_180 : vector<16xi32>
      %parallel_loop3A_182 = arith.constant 1 : i32
      %parallel_loop3A_183 = vector.broadcast %parallel_loop3A_182 : i32 to vector<16xi32>
      %parallel_loop3A_184 = arith.shli %parallel_loop3A_181, %parallel_loop3A_183 : vector<16xi32>
      %parallel_loop3A_185 = arith.ori %parallel_loop3A_178, %parallel_loop3A_184 : vector<16xi32>
      %parallel_loop3A_186 = arith.constant 13 : i32
      %parallel_loop3A_187 = vector.broadcast %parallel_loop3A_186 : i32 to vector<16xi32>
      %parallel_loop3A_188 = arith.shrsi %parallel_loop3A_175, %parallel_loop3A_187 : vector<16xi32>
      %parallel_loop3A_189 = arith.constant 1 : i32
      %parallel_loop3A_190 = vector.broadcast %parallel_loop3A_189 : i32 to vector<16xi32>
      %parallel_loop3A_191 = arith.andi %parallel_loop3A_188, %parallel_loop3A_190 : vector<16xi32>
      %parallel_loop3A_192 = arith.ori %parallel_loop3A_185, %parallel_loop3A_191 : vector<16xi32>
      %parallel_loop3A_193 = arith.index_cast %parallel_loop3A_149 : i32 to index
      %parallel_loop3A_194 = arith.constant 16 : index
      %parallel_loop3A_195 = tpu.vector_load %arg5[%parallel_loop3A_193, %parallel_loop3A_194] {strides = array<i32>} : memref<200x128xi32, #tpu.memory_space<vmem>>, vector<16xi32>,
      tpu.vector_store %arg5[%parallel_loop3A_193, %parallel_loop3A_194], %parallel_loop3A_192 {strides = array<i32>} : memref<200x128xi32, #tpu.memory_space<vmem>>, vector<16xi32>,
      %parallel_loop3A_196 = arith.index_cast %parallel_loop3A_149 : i32 to index
      %parallel_loop3A_197 = arith.constant 32 : index
      %parallel_loop3A_198 = tpu.vector_load %arg5[%parallel_loop3A_196, %parallel_loop3A_197] {strides = array<i32>} : memref<200x128xi32, #tpu.memory_space<vmem>>, vector<16xi32>,
      %parallel_loop3A_199 = arith.constant -16384 : i32
      %parallel_loop3A_200 = vector.broadcast %parallel_loop3A_199 : i32 to vector<16xi32>
      %parallel_loop3A_201 = arith.andi %parallel_loop3A_198, %parallel_loop3A_200 : vector<16xi32>
      %parallel_loop3A_202 = arith.constant 8191 : i32
      %parallel_loop3A_203 = vector.broadcast %parallel_loop3A_202 : i32 to vector<16xi32>
      %parallel_loop3A_204 = arith.andi %parallel_loop3A_198, %parallel_loop3A_203 : vector<16xi32>
      %parallel_loop3A_205 = arith.constant 1 : i32
      %parallel_loop3A_206 = vector.broadcast %parallel_loop3A_205 : i32 to vector<16xi32>
      %parallel_loop3A_207 = arith.shli %parallel_loop3A_204, %parallel_loop3A_206 : vector<16xi32>
      %parallel_loop3A_208 = arith.ori %parallel_loop3A_201, %parallel_loop3A_207 : vector<16xi32>
      %parallel_loop3A_209 = arith.constant 13 : i32
      %parallel_loop3A_210 = vector.broadcast %parallel_loop3A_209 : i32 to vector<16xi32>
      %parallel_loop3A_211 = arith.shrsi %parallel_loop3A_198, %parallel_loop3A_210 : vector<16xi32>
      %parallel_loop3A_212 = arith.constant 1 : i32
      %parallel_loop3A_213 = vector.broadcast %parallel_loop3A_212 : i32 to vector<16xi32>
      %parallel_loop3A_214 = arith.andi %parallel_loop3A_211, %parallel_loop3A_213 : vector<16xi32>
      %parallel_loop3A_215 = arith.ori %parallel_loop3A_208, %parallel_loop3A_214 : vector<16xi32>
      %parallel_loop3A_216 = arith.index_cast %parallel_loop3A_149 : i32 to index
      %parallel_loop3A_217 = arith.constant 32 : index
      %parallel_loop3A_218 = tpu.vector_load %arg5[%parallel_loop3A_216, %parallel_loop3A_217] {strides = array<i32>} : memref<200x128xi32, #tpu.memory_space<vmem>>, vector<16xi32>,
      tpu.vector_store %arg5[%parallel_loop3A_216, %parallel_loop3A_217], %parallel_loop3A_215 {strides = array<i32>} : memref<200x128xi32, #tpu.memory_space<vmem>>, vector<16xi32>,
      %parallel_loop3A_219 = arith.index_cast %parallel_loop3A_149 : i32 to index
      %parallel_loop3A_220 = arith.constant 48 : index
      %parallel_loop3A_221 = tpu.vector_load %arg5[%parallel_loop3A_219, %parallel_loop3A_220] {strides = array<i32>} : memref<200x128xi32, #tpu.memory_space<vmem>>, vector<16xi32>,
      %parallel_loop3A_222 = arith.constant -16384 : i32
      %parallel_loop3A_223 = vector.broadcast %parallel_loop3A_222 : i32 to vector<16xi32>
      %parallel_loop3A_224 = arith.andi %parallel_loop3A_221, %parallel_loop3A_223 : vector<16xi32>
      %parallel_loop3A_225 = arith.constant 8191 : i32
      %parallel_loop3A_226 = vector.broadcast %parallel_loop3A_225 : i32 to vector<16xi32>
      %parallel_loop3A_227 = arith.andi %parallel_loop3A_221, %parallel_loop3A_226 : vector<16xi32>
      %parallel_loop3A_228 = arith.constant 1 : i32
      %parallel_loop3A_229 = vector.broadcast %parallel_loop3A_228 : i32 to vector<16xi32>
      %parallel_loop3A_230 = arith.shli %parallel_loop3A_227, %parallel_loop3A_229 : vector<16xi32>
      %parallel_loop3A_231 = arith.ori %parallel_loop3A_224, %parallel_loop3A_230 : vector<16xi32>
      %parallel_loop3A_232 = arith.constant 13 : i32
      %parallel_loop3A_233 = vector.broadcast %parallel_loop3A_232 : i32 to vector<16xi32>
      %parallel_loop3A_234 = arith.shrsi %parallel_loop3A_221, %parallel_loop3A_233 : vector<16xi32>
      %parallel_loop3A_235 = arith.constant 1 : i32
      %parallel_loop3A_236 = vector.broadcast %parallel_loop3A_235 : i32 to vector<16xi32>
      %parallel_loop3A_237 = arith.andi %parallel_loop3A_234, %parallel_loop3A_236 : vector<16xi32>
      %parallel_loop3A_238 = arith.ori %parallel_loop3A_231, %parallel_loop3A_237 : vector<16xi32>
      %parallel_loop3A_239 = arith.index_cast %parallel_loop3A_149 : i32 to index
      %parallel_loop3A_240 = arith.constant 48 : index
      %parallel_loop3A_241 = tpu.vector_load %arg5[%parallel_loop3A_239, %parallel_loop3A_240] {strides = array<i32>} : memref<200x128xi32, #tpu.memory_space<vmem>>, vector<16xi32>,
      tpu.vector_store %arg5[%parallel_loop3A_239, %parallel_loop3A_240], %parallel_loop3A_238 {strides = array<i32>} : memref<200x128xi32, #tpu.memory_space<vmem>>, vector<16xi32>,
      %parallel_loop3A_242 = arith.index_cast %parallel_loop3A_149 : i32 to index
      %parallel_loop3A_243 = arith.constant 64 : index
      %parallel_loop3A_244 = tpu.vector_load %arg5[%parallel_loop3A_242, %parallel_loop3A_243] {strides = array<i32>} : memref<200x128xi32, #tpu.memory_space<vmem>>, vector<16xi32>,
      %parallel_loop3A_245 = arith.constant -16384 : i32
      %parallel_loop3A_246 = vector.broadcast %parallel_loop3A_245 : i32 to vector<16xi32>
      %parallel_loop3A_247 = arith.andi %parallel_loop3A_244, %parallel_loop3A_246 : vector<16xi32>
      %parallel_loop3A_248 = arith.constant 8191 : i32
      %parallel_loop3A_249 = vector.broadcast %parallel_loop3A_248 : i32 to vector<16xi32>
      %parallel_loop3A_250 = arith.andi %parallel_loop3A_244, %parallel_loop3A_249 : vector<16xi32>
      %parallel_loop3A_251 = arith.constant 1 : i32
      %parallel_loop3A_252 = vector.broadcast %parallel_loop3A_251 : i32 to vector<16xi32>
      %parallel_loop3A_253 = arith.shli %parallel_loop3A_250, %parallel_loop3A_252 : vector<16xi32>
      %parallel_loop3A_254 = arith.ori %parallel_loop3A_247, %parallel_loop3A_253 : vector<16xi32>
      %parallel_loop3A_255 = arith.constant 13 : i32
      %parallel_loop3A_256 = vector.broadcast %parallel_loop3A_255 : i32 to vector<16xi32>
      %parallel_loop3A_257 = arith.shrsi %parallel_loop3A_244, %parallel_loop3A_256 : vector<16xi32>
      %parallel_loop3A_258 = arith.constant 1 : i32
      %parallel_loop3A_259 = vector.broadcast %parallel_loop3A_258 : i32 to vector<16xi32>
      %parallel_loop3A_260 = arith.andi %parallel_loop3A_257, %parallel_loop3A_259 : vector<16xi32>
      %parallel_loop3A_261 = arith.ori %parallel_loop3A_254, %parallel_loop3A_260 : vector<16xi32>
      %parallel_loop3A_262 = arith.index_cast %parallel_loop3A_149 : i32 to index
      %parallel_loop3A_263 = arith.constant 64 : index
      %parallel_loop3A_264 = tpu.vector_load %arg5[%parallel_loop3A_262, %parallel_loop3A_263] {strides = array<i32>} : memref<200x128xi32, #tpu.memory_space<vmem>>, vector<16xi32>,
      tpu.vector_store %arg5[%parallel_loop3A_262, %parallel_loop3A_263], %parallel_loop3A_261 {strides = array<i32>} : memref<200x128xi32, #tpu.memory_space<vmem>>, vector<16xi32>,
      %parallel_loop3A_265 = arith.index_cast %parallel_loop3A_149 : i32 to index
      %parallel_loop3A_266 = arith.constant 80 : index
      %parallel_loop3A_267 = tpu.vector_load %arg5[%parallel_loop3A_265, %parallel_loop3A_266] {strides = array<i32>} : memref<200x128xi32, #tpu.memory_space<vmem>>, vector<16xi32>,
      %parallel_loop3A_268 = arith.constant -16384 : i32
      %parallel_loop3A_269 = vector.broadcast %parallel_loop3A_268 : i32 to vector<16xi32>
      %parallel_loop3A_270 = arith.andi %parallel_loop3A_267, %parallel_loop3A_269 : vector<16xi32>
      %parallel_loop3A_271 = arith.constant 8191 : i32
      %parallel_loop3A_272 = vector.broadcast %parallel_loop3A_271 : i32 to vector<16xi32>
      %parallel_loop3A_273 = arith.andi %parallel_loop3A_267, %parallel_loop3A_272 : vector<16xi32>
      %parallel_loop3A_274 = arith.constant 1 : i32
      %parallel_loop3A_275 = vector.broadcast %parallel_loop3A_274 : i32 to vector<16xi32>
      %parallel_loop3A_276 = arith.shli %parallel_loop3A_273, %parallel_loop3A_275 : vector<16xi32>
      %parallel_loop3A_277 = arith.ori %parallel_loop3A_270, %parallel_loop3A_276 : vector<16xi32>
      %parallel_loop3A_278 = arith.constant 13 : i32
      %parallel_loop3A_279 = vector.broadcast %parallel_loop3A_278 : i32 to vector<16xi32>
      %parallel_loop3A_280 = arith.shrsi %parallel_loop3A_267, %parallel_loop3A_279 : vector<16xi32>
      %parallel_loop3A_281 = arith.constant 1 : i32
      %parallel_loop3A_282 = vector.broadcast %parallel_loop3A_281 : i32 to vector<16xi32>
      %parallel_loop3A_283 = arith.andi %parallel_loop3A_280, %parallel_loop3A_282 : vector<16xi32>
      %parallel_loop3A_284 = arith.ori %parallel_loop3A_277, %parallel_loop3A_283 : vector<16xi32>
      %parallel_loop3A_285 = arith.index_cast %parallel_loop3A_149 : i32 to index
      %parallel_loop3A_286 = arith.constant 80 : index
      %parallel_loop3A_287 = tpu.vector_load %arg5[%parallel_loop3A_285, %parallel_loop3A_286] {strides = array<i32>} : memref<200x128xi32, #tpu.memory_space<vmem>>, vector<16xi32>,
      tpu.vector_store %arg5[%parallel_loop3A_285, %parallel_loop3A_286], %parallel_loop3A_284 {strides = array<i32>} : memref<200x128xi32, #tpu.memory_space<vmem>>, vector<16xi32>,
      %parallel_loop3A_288 = arith.index_cast %parallel_loop3A_149 : i32 to index
      %parallel_loop3A_289 = arith.constant 96 : index
      %parallel_loop3A_290 = tpu.vector_load %arg5[%parallel_loop3A_288, %parallel_loop3A_289] {strides = array<i32>} : memref<200x128xi32, #tpu.memory_space<vmem>>, vector<16xi32>,
      %parallel_loop3A_291 = arith.constant -16384 : i32
      %parallel_loop3A_292 = vector.broadcast %parallel_loop3A_291 : i32 to vector<16xi32>
      %parallel_loop3A_293 = arith.andi %parallel_loop3A_290, %parallel_loop3A_292 : vector<16xi32>
      %parallel_loop3A_294 = arith.constant 8191 : i32
      %parallel_loop3A_295 = vector.broadcast %parallel_loop3A_294 : i32 to vector<16xi32>
      %parallel_loop3A_296 = arith.andi %parallel_loop3A_290, %parallel_loop3A_295 : vector<16xi32>
      %parallel_loop3A_297 = arith.constant 1 : i32
      %parallel_loop3A_298 = vector.broadcast %parallel_loop3A_297 : i32 to vector<16xi32>
      %parallel_loop3A_299 = arith.shli %parallel_loop3A_296, %parallel_loop3A_298 : vector<16xi32>
      %parallel_loop3A_300 = arith.ori %parallel_loop3A_293, %parallel_loop3A_299 : vector<16xi32>
      %parallel_loop3A_301 = arith.constant 13 : i32
      %parallel_loop3A_302 = vector.broadcast %parallel_loop3A_301 : i32 to vector<16xi32>
      %parallel_loop3A_303 = arith.shrsi %parallel_loop3A_290, %parallel_loop3A_302 : vector<16xi32>
      %parallel_loop3A_304 = arith.constant 1 : i32
      %parallel_loop3A_305 = vector.broadcast %parallel_loop3A_304 : i32 to vector<16xi32>
      %parallel_loop3A_306 = arith.andi %parallel_loop3A_303, %parallel_loop3A_305 : vector<16xi32>
      %parallel_loop3A_307 = arith.ori %parallel_loop3A_300, %parallel_loop3A_306 : vector<16xi32>
      %parallel_loop3A_308 = arith.index_cast %parallel_loop3A_149 : i32 to index
      %parallel_loop3A_309 = arith.constant 96 : index
      %parallel_loop3A_310 = tpu.vector_load %arg5[%parallel_loop3A_308, %parallel_loop3A_309] {strides = array<i32>} : memref<200x128xi32, #tpu.memory_space<vmem>>, vector<16xi32>,
      tpu.vector_store %arg5[%parallel_loop3A_308, %parallel_loop3A_309], %parallel_loop3A_307 {strides = array<i32>} : memref<200x128xi32, #tpu.memory_space<vmem>>, vector<16xi32>,
      %parallel_loop3A_311 = arith.index_cast %parallel_loop3A_149 : i32 to index
      %parallel_loop3A_312 = arith.constant 112 : index
      %parallel_loop3A_313 = tpu.vector_load %arg5[%parallel_loop3A_311, %parallel_loop3A_312] {strides = array<i32>} : memref<200x128xi32, #tpu.memory_space<vmem>>, vector<16xi32>,
      %parallel_loop3A_314 = arith.constant -16384 : i32
      %parallel_loop3A_315 = vector.broadcast %parallel_loop3A_314 : i32 to vector<16xi32>
      %parallel_loop3A_316 = arith.andi %parallel_loop3A_313, %parallel_loop3A_315 : vector<16xi32>
      %parallel_loop3A_317 = arith.constant 8191 : i32
      %parallel_loop3A_318 = vector.broadcast %parallel_loop3A_317 : i32 to vector<16xi32>
      %parallel_loop3A_319 = arith.andi %parallel_loop3A_313, %parallel_loop3A_318 : vector<16xi32>
      %parallel_loop3A_320 = arith.constant 1 : i32
      %parallel_loop3A_321 = vector.broadcast %parallel_loop3A_320 : i32 to vector<16xi32>
      %parallel_loop3A_322 = arith.shli %parallel_loop3A_319, %parallel_loop3A_321 : vector<16xi32>
      %parallel_loop3A_323 = arith.ori %parallel_loop3A_316, %parallel_loop3A_322 : vector<16xi32>
      %parallel_loop3A_324 = arith.constant 13 : i32
      %parallel_loop3A_325 = vector.broadcast %parallel_loop3A_324 : i32 to vector<16xi32>
      %parallel_loop3A_326 = arith.shrsi %parallel_loop3A_313, %parallel_loop3A_325 : vector<16xi32>
      %parallel_loop3A_327 = arith.constant 1 : i32
      %parallel_loop3A_328 = vector.broadcast %parallel_loop3A_327 : i32 to vector<16xi32>
      %parallel_loop3A_329 = arith.andi %parallel_loop3A_326, %parallel_loop3A_328 : vector<16xi32>
      %parallel_loop3A_330 = arith.ori %parallel_loop3A_323, %parallel_loop3A_329 : vector<16xi32>
      %parallel_loop3A_331 = arith.index_cast %parallel_loop3A_149 : i32 to index
      %parallel_loop3A_332 = arith.constant 112 : index
      %parallel_loop3A_333 = tpu.vector_load %arg5[%parallel_loop3A_331, %parallel_loop3A_332] {strides = array<i32>} : memref<200x128xi32, #tpu.memory_space<vmem>>, vector<16xi32>,
      tpu.vector_store %arg5[%parallel_loop3A_331, %parallel_loop3A_332], %parallel_loop3A_330 {strides = array<i32>} : memref<200x128xi32, #tpu.memory_space<vmem>>, vector<16xi32>,
    } {sc.loop_unroll_factor = 1 : i64, sc.parallel_access}
    %dma_start3A = arith.constant 0 : i32
    %dma_start3A_5 = arith.constant 0 : i32
    %dma_start3A_6 = arith.constant 0 : i32
    %dma_start3A_7 = arith.constant 0 : i32
    %dma_start3A_8 = arith.constant 0 : i32
    %dma_start3A_9 = tpu.memref_slice %arg6[%dma_start3A_5, %dma_start3A_7, %dma_start3A_8] : memref<4x128x64xf32, #tpu.memory_space<vmem>> -> memref<1x128x64xf32, #tpu.memory_space<vmem>>
    %dma_start3A_10 = tpu.memref_squeeze %dma_start3A_9 : memref<1x128x64xf32, #tpu.memory_space<vmem>> -> memref<128x64xf32, #tpu.memory_space<vmem>>
    %dma_start3A_11 = arith.constant 0 : i32
    %dma_start3A_12 = tpu.memref_slice %arg5[%dma_start3A, %dma_start3A_11] : memref<200x128xi32, #tpu.memory_space<vmem>> -> memref<1x128xi32, #tpu.memory_space<vmem>>
    %dma_start3A_13 = tpu.memref_squeeze %dma_start3A_12 : memref<1x128xi32, #tpu.memory_space<vmem>> -> memref<128xi32, #tpu.memory_space<vmem>>
    %dma_start3A_14 = arith.constant 0 : i32
    %dma_start3A_15 = arith.constant 0 : i32
    %dma_start3A_16 = tpu.memref_slice %arg3[%dma_start3A_14, %dma_start3A_15] : memref<1015808x64xf32, #tpu.memory_space<hbm>> -> memref<1015808x64xf32, #tpu.memory_space<hbm>>
    %dma_start3A_17 = tpu.memref_slice %arg8[%dma_start3A_6] : memref<4x!tpu.dma_semaphore, #tpu.memory_space<semaphore_mem>> -> memref<1x!tpu.dma_semaphore, #tpu.memory_space<semaphore_mem>>
    %dma_start3A_18 = tpu.memref_squeeze %dma_start3A_17 : memref<1x!tpu.dma_semaphore, #tpu.memory_space<semaphore_mem>> -> memref<!tpu.dma_semaphore, #tpu.memory_space<semaphore_mem>>
    tpu.enqueue_indirect_dma source(%dma_start3A_16 : memref<1015808x64xf32, #tpu.memory_space<hbm>>) target(%dma_start3A_10 : memref<128x64xf32, #tpu.memory_space<vmem>>) offsets(%dma_start3A_13 : memref<128xi32, #tpu.memory_space<vmem>>) semaphore(%dma_start3A_18 : memref<!tpu.dma_semaphore, #tpu.memory_space<semaphore_mem>>)
    %dma_start3A_19 = arith.constant 1 : i32
    %dma_start3A_20 = arith.constant 1 : i32
    %dma_start3A_21 = arith.constant 1 : i32
    %dma_start3A_22 = arith.constant 0 : i32
    %dma_start3A_23 = arith.constant 0 : i32
    %dma_start3A_24 = tpu.memref_slice %arg6[%dma_start3A_20, %dma_start3A_22, %dma_start3A_23] : memref<4x128x64xf32, #tpu.memory_space<vmem>> -> memref<1x128x64xf32, #tpu.memory_space<vmem>>
    %dma_start3A_25 = tpu.memref_squeeze %dma_start3A_24 : memref<1x128x64xf32, #tpu.memory_space<vmem>> -> memref<128x64xf32, #tpu.memory_space<vmem>>
    %dma_start3A_26 = arith.constant 0 : i32
    %dma_start3A_27 = tpu.memref_slice %arg5[%dma_start3A_19, %dma_start3A_26] : memref<200x128xi32, #tpu.memory_space<vmem>> -> memref<1x128xi32, #tpu.memory_space<vmem>>
    %dma_start3A_28 = tpu.memref_squeeze %dma_start3A_27 : memref<1x128xi32, #tpu.memory_space<vmem>> -> memref<128xi32, #tpu.memory_space<vmem>>
    %dma_start3A_29 = arith.constant 0 : i32
    %dma_start3A_30 = arith.constant 0 : i32
    %dma_start3A_31 = tpu.memref_slice %arg3[%dma_start3A_29, %dma_start3A_30] : memref<1015808x64xf32, #tpu.memory_space<hbm>> -> memref<1015808x64xf32, #tpu.memory_space<hbm>>
    %dma_start3A_32 = tpu.memref_slice %arg8[%dma_start3A_21] : memref<4x!tpu.dma_semaphore, #tpu.memory_space<semaphore_mem>> -> memref<1x!tpu.dma_semaphore, #tpu.memory_space<semaphore_mem>>
    %dma_start3A_33 = tpu.memref_squeeze %dma_start3A_32 : memref<1x!tpu.dma_semaphore, #tpu.memory_space<semaphore_mem>> -> memref<!tpu.dma_semaphore, #tpu.memory_space<semaphore_mem>>
    tpu.enqueue_indirect_dma source(%dma_start3A_31 : memref<1015808x64xf32, #tpu.memory_space<hbm>>) target(%dma_start3A_25 : memref<128x64xf32, #tpu.memory_space<vmem>>) offsets(%dma_start3A_28 : memref<128xi32, #tpu.memory_space<vmem>>) semaphore(%dma_start3A_33 : memref<!tpu.dma_semaphore, #tpu.memory_space<semaphore_mem>>)
    %dma_start3A_34 = arith.constant 2 : i32
    %dma_start3A_35 = arith.constant 2 : i32
    %dma_start3A_36 = arith.constant 2 : i32
    %dma_start3A_37 = arith.constant 0 : i32
    %dma_start3A_38 = arith.constant 0 : i32
    %dma_start3A_39 = tpu.memref_slice %arg6[%dma_start3A_35, %dma_start3A_37, %dma_start3A_38] : memref<4x128x64xf32, #tpu.memory_space<vmem>> -> memref<1x128x64xf32, #tpu.memory_space<vmem>>
    %dma_start3A_40 = tpu.memref_squeeze %dma_start3A_39 : memref<1x128x64xf32, #tpu.memory_space<vmem>> -> memref<128x64xf32, #tpu.memory_space<vmem>>
    %dma_start3A_41 = arith.constant 0 : i32
    %dma_start3A_42 = tpu.memref_slice %arg5[%dma_start3A_34, %dma_start3A_41] : memref<200x128xi32, #tpu.memory_space<vmem>> -> memref<1x128xi32, #tpu.memory_space<vmem>>
    %dma_start3A_43 = tpu.memref_squeeze %dma_start3A_42 : memref<1x128xi32, #tpu.memory_space<vmem>> -> memref<128xi32, #tpu.memory_space<vmem>>
    %dma_start3A_44 = arith.constant 0 : i32
    %dma_start3A_45 = arith.constant 0 : i32
    %dma_start3A_46 = tpu.memref_slice %arg3[%dma_start3A_44, %dma_start3A_45] : memref<1015808x64xf32, #tpu.memory_space<hbm>> -> memref<1015808x64xf32, #tpu.memory_space<hbm>>
    %dma_start3A_47 = tpu.memref_slice %arg8[%dma_start3A_36] : memref<4x!tpu.dma_semaphore, #tpu.memory_space<semaphore_mem>> -> memref<1x!tpu.dma_semaphore, #tpu.memory_space<semaphore_mem>>
    %dma_start3A_48 = tpu.memref_squeeze %dma_start3A_47 : memref<1x!tpu.dma_semaphore, #tpu.memory_space<semaphore_mem>> -> memref<!tpu.dma_semaphore, #tpu.memory_space<semaphore_mem>>
    tpu.enqueue_indirect_dma source(%dma_start3A_46 : memref<1015808x64xf32, #tpu.memory_space<hbm>>) target(%dma_start3A_40 : memref<128x64xf32, #tpu.memory_space<vmem>>) offsets(%dma_start3A_43 : memref<128xi32, #tpu.memory_space<vmem>>) semaphore(%dma_start3A_48 : memref<!tpu.dma_semaphore, #tpu.memory_space<semaphore_mem>>)
    %dma_start3A_49 = arith.constant 3 : i32
    %dma_start3A_50 = arith.constant 3 : i32
    %dma_start3A_51 = arith.constant 3 : i32
    %dma_start3A_52 = arith.constant 0 : i32
    %dma_start3A_53 = arith.constant 0 : i32
    %dma_start3A_54 = tpu.memref_slice %arg6[%dma_start3A_50, %dma_start3A_52, %dma_start3A_53] : memref<4x128x64xf32, #tpu.memory_space<vmem>> -> memref<1x128x64xf32, #tpu.memory_space<vmem>>
    %dma_start3A_55 = tpu.memref_squeeze %dma_start3A_54 : memref<1x128x64xf32, #tpu.memory_space<vmem>> -> memref<128x64xf32, #tpu.memory_space<vmem>>
    %dma_start3A_56 = arith.constant 0 : i32
    %dma_start3A_57 = tpu.memref_slice %arg5[%dma_start3A_49, %dma_start3A_56] : memref<200x128xi32, #tpu.memory_space<vmem>> -> memref<1x128xi32, #tpu.memory_space<vmem>>
    %dma_start3A_58 = tpu.memref_squeeze %dma_start3A_57 : memref<1x128xi32, #tpu.memory_space<vmem>> -> memref<128xi32, #tpu.memory_space<vmem>>
    %dma_start3A_59 = arith.constant 0 : i32
    %dma_start3A_60 = arith.constant 0 : i32
    %dma_start3A_61 = tpu.memref_slice %arg3[%dma_start3A_59, %dma_start3A_60] : memref<1015808x64xf32, #tpu.memory_space<hbm>> -> memref<1015808x64xf32, #tpu.memory_space<hbm>>
    %dma_start3A_62 = tpu.memref_slice %arg8[%dma_start3A_51] : memref<4x!tpu.dma_semaphore, #tpu.memory_space<semaphore_mem>> -> memref<1x!tpu.dma_semaphore, #tpu.memory_space<semaphore_mem>>
    %dma_start3A_63 = tpu.memref_squeeze %dma_start3A_62 : memref<1x!tpu.dma_semaphore, #tpu.memory_space<semaphore_mem>> -> memref<!tpu.dma_semaphore, #tpu.memory_space<semaphore_mem>>
    tpu.enqueue_indirect_dma source(%dma_start3A_61 : memref<1015808x64xf32, #tpu.memory_space<hbm>>) target(%dma_start3A_55 : memref<128x64xf32, #tpu.memory_space<vmem>>) offsets(%dma_start3A_58 : memref<128xi32, #tpu.memory_space<vmem>>) semaphore(%dma_start3A_63 : memref<!tpu.dma_semaphore, #tpu.memory_space<semaphore_mem>>)
    %scan3A = arith.constant 0 : i32
    %scan3A_64 = arith.constant 0 : i32
    %scan3A_65 = arith.constant 50 : i32
    %scan3A_66 = arith.addi %scan3A_64, %scan3A_65 : i32
    %scan3A_67 = arith.constant 1 : i32
    %scan3A_68 = scf.for %scan3A_149 = %scan3A_64 to %scan3A_66 step %scan3A_67 iter_args(%scan3A_150 = %scan3A) -> (i32)  : i32 {
      %mul3A_151 = arith.constant 4 : i32
      %mul3A_152 = arith.muli %scan3A_149, %mul3A_151 : i32
      %add3A_153 = arith.constant 0 : i32
      %add3A_154 = arith.addi %mul3A_152, %add3A_153 : i32
      %dma_wait3A_155 = arith.constant 0 : i32
      %dma_wait3A_156 = arith.constant 0 : i32
      %dma_wait3A_157 = arith.constant 0 : i32
      %dma_wait3A_158 = arith.constant 0 : i32
      %dma_wait3A_159 = tpu.memref_slice %arg6[%dma_wait3A_155, %dma_wait3A_157, %dma_wait3A_158] : memref<4x128x64xf32, #tpu.memory_space<vmem>> -> memref<1x128x64xf32, #tpu.memory_space<vmem>>
      %dma_wait3A_160 = tpu.memref_squeeze %dma_wait3A_159 : memref<1x128x64xf32, #tpu.memory_space<vmem>> -> memref<128x64xf32, #tpu.memory_space<vmem>>
      %dma_wait3A_161 = arith.constant 0 : i32
      %dma_wait3A_162 = tpu.memref_slice %arg5[%add3A_154, %dma_wait3A_161] : memref<200x128xi32, #tpu.memory_space<vmem>> -> memref<1x128xi32, #tpu.memory_space<vmem>>
      %dma_wait3A_163 = tpu.memref_squeeze %dma_wait3A_162 : memref<1x128xi32, #tpu.memory_space<vmem>> -> memref<128xi32, #tpu.memory_space<vmem>>
      %dma_wait3A_164 = arith.constant 0 : i32
      %dma_wait3A_165 = arith.constant 0 : i32
      %dma_wait3A_166 = tpu.memref_slice %arg3[%dma_wait3A_164, %dma_wait3A_165] : memref<1015808x64xf32, #tpu.memory_space<hbm>> -> memref<1015808x64xf32, #tpu.memory_space<hbm>>
      %dma_wait3A_167 = tpu.memref_slice %arg8[%dma_wait3A_156] : memref<4x!tpu.dma_semaphore, #tpu.memory_space<semaphore_mem>> -> memref<1x!tpu.dma_semaphore, #tpu.memory_space<semaphore_mem>>
      %dma_wait3A_168 = tpu.memref_squeeze %dma_wait3A_167 : memref<1x!tpu.dma_semaphore, #tpu.memory_space<semaphore_mem>> -> memref<!tpu.dma_semaphore, #tpu.memory_space<semaphore_mem>>
      tpu.wait_indirect_dma semaphore(%dma_wait3A_168 : memref<!tpu.dma_semaphore, #tpu.memory_space<semaphore_mem>>) src(%dma_wait3A_166 : memref<1015808x64xf32, #tpu.memory_space<hbm>>) dst(%dma_wait3A_160 : memref<128x64xf32, #tpu.memory_space<vmem>>)
      %ge3A = arith.constant 1 : i32
      %ge3A_169 = arith.cmpi sge, %scan3A_149, %ge3A : i32
      %convert_element_type3A = arith.extui %ge3A_169 : i1 to i32
      %cond3A = arith.constant 0 : i32
      %cond3A_170 = arith.cmpi ne, %convert_element_type3A, %cond3A : i32
      scf.if %cond3A_170 {
        %sub3A = arith.constant 4 : i32
        %sub3A_348 = arith.subi %add3A_154, %sub3A : i32
        %add3A_349 = arith.addi %mul3A_2, %sub3A_348 : i32
        %mul3A_350 = arith.constant 128 : i32
        %mul3A_351 = arith.muli %add3A_349, %mul3A_350 : i32
        %dma_wait3A_352 = arith.constant 0 : i32
        %dma_wait3A_353 = arith.constant 0 : i32
        %dma_wait3A_354 = arith.constant 0 : i32
        %dma_wait3A_355 = arith.constant 0 : i32
        %dma_wait3A_356 = tpu.memref_slice %arg7[%dma_wait3A_352, %dma_wait3A_354, %dma_wait3A_355] : memref<4x128x128xf32, #tpu.memory_space<vmem>> -> memref<1x128x128xf32, #tpu.memory_space<vmem>>
        %dma_wait3A_357 = tpu.memref_squeeze %dma_wait3A_356 : memref<1x128x128xf32, #tpu.memory_space<vmem>> -> memref<128x128xf32, #tpu.memory_space<vmem>>
        %dma_wait3A_358 = arith.constant 0 : i32
        %dma_wait3A_359 = tpu.memref_slice %arg4[%mul3A_351, %dma_wait3A_358] : memref<819200x128xf32, #tpu.memory_space<hbm>> -> memref<128x128xf32, #tpu.memory_space<hbm>>
        %dma_wait3A_360 = tpu.memref_slice %arg9[%dma_wait3A_353] : memref<4x!tpu.dma_semaphore, #tpu.memory_space<semaphore_mem>> -> memref<1x!tpu.dma_semaphore, #tpu.memory_space<semaphore_mem>>
        %dma_wait3A_361 = tpu.memref_squeeze %dma_wait3A_360 : memref<1x!tpu.dma_semaphore, #tpu.memory_space<semaphore_mem>> -> memref<!tpu.dma_semaphore, #tpu.memory_space<semaphore_mem>>
        %dma_wait3A_362 = arith.constant 0 : i32
        %dma_wait3A_363 = tpu.memref_slice %arg4[%mul3A_351, %dma_wait3A_362] : memref<819200x128xf32, #tpu.memory_space<hbm>> -> memref<128x128xf32, #tpu.memory_space<hbm>>
        %dma_wait3A_364 = arith.constant 0 : i32
        %dma_wait3A_365 = arith.constant 0 : i32
        %dma_wait3A_366 = tpu.memref_slice %arg7[%dma_wait3A_352, %dma_wait3A_364, %dma_wait3A_365] : memref<4x128x128xf32, #tpu.memory_space<vmem>> -> memref<1x128x128xf32, #tpu.memory_space<vmem>>
        %dma_wait3A_367 = tpu.memref_squeeze %dma_wait3A_366 : memref<1x128x128xf32, #tpu.memory_space<vmem>> -> memref<128x128xf32, #tpu.memory_space<vmem>>
        tpu.wait_dma2 semaphore(%dma_wait3A_361 : memref<!tpu.dma_semaphore, #tpu.memory_space<semaphore_mem>>) src(%dma_wait3A_367 : memref<128x128xf32, #tpu.memory_space<vmem>>) dst(%dma_wait3A_363 : memref<128x128xf32, #tpu.memory_space<hbm>>)
      } else {
      }
      %parallel_loop3A_171 = arith.constant 0 : i32
      %parallel_loop3A_172 = arith.constant 128 : i32
      %parallel_loop3A_173 = arith.constant 1 : i32
      scf.for %parallel_loop3A_348 = %parallel_loop3A_171 to %parallel_loop3A_172 step %parallel_loop3A_173  : i32 {
        %parallel_loop3A_349 = arith.constant 0 : i32
        %parallel_loop3A_350 = arith.index_cast %parallel_loop3A_349 : i32 to index
        %parallel_loop3A_351 = arith.index_cast %parallel_loop3A_348 : i32 to index
        %parallel_loop3A_352 = arith.constant 0 : index
        %parallel_loop3A_353 = tpu.vector_load %arg6[%parallel_loop3A_350, %parallel_loop3A_351, %parallel_loop3A_352] {strides = array<i32>} : memref<4x128x64xf32, #tpu.memory_space<vmem>>, vector<16xf32>,
        %parallel_loop3A_354 = arith.constant 0 : i32
        %parallel_loop3A_355 = arith.index_cast %parallel_loop3A_354 : i32 to index
        %parallel_loop3A_356 = arith.index_cast %parallel_loop3A_348 : i32 to index
        %parallel_loop3A_357 = arith.constant 0 : index
        %parallel_loop3A_358 = tpu.vector_load %arg7[%parallel_loop3A_355, %parallel_loop3A_356, %parallel_loop3A_357] {strides = array<i32>} : memref<4x128x128xf32, #tpu.memory_space<vmem>>, vector<16xf32>,
        tpu.vector_store %arg7[%parallel_loop3A_355, %parallel_loop3A_356, %parallel_loop3A_357], %parallel_loop3A_353 {strides = array<i32>} : memref<4x128x128xf32, #tpu.memory_space<vmem>>, vector<16xf32>,
        %parallel_loop3A_359 = arith.constant 0 : i32
        %parallel_loop3A_360 = arith.index_cast %parallel_loop3A_359 : i32 to index
        %parallel_loop3A_361 = arith.index_cast %parallel_loop3A_348 : i32 to index
        %parallel_loop3A_362 = arith.constant 16 : index
        %parallel_loop3A_363 = tpu.vector_load %arg6[%parallel_loop3A_360, %parallel_loop3A_361, %parallel_loop3A_362] {strides = array<i32>} : memref<4x128x64xf32, #tpu.memory_space<vmem>>, vector<16xf32>,
        %parallel_loop3A_364 = arith.constant 0 : i32
        %parallel_loop3A_365 = arith.index_cast %parallel_loop3A_364 : i32 to index
        %parallel_loop3A_366 = arith.index_cast %parallel_loop3A_348 : i32 to index
        %parallel_loop3A_367 = arith.constant 16 : index
        %parallel_loop3A_368 = tpu.vector_load %arg7[%parallel_loop3A_365, %parallel_loop3A_366, %parallel_loop3A_367] {strides = array<i32>} : memref<4x128x128xf32, #tpu.memory_space<vmem>>, vector<16xf32>,
        tpu.vector_store %arg7[%parallel_loop3A_365, %parallel_loop3A_366, %parallel_loop3A_367], %parallel_loop3A_363 {strides = array<i32>} : memref<4x128x128xf32, #tpu.memory_space<vmem>>, vector<16xf32>,
        %parallel_loop3A_369 = arith.constant 0 : i32
        %parallel_loop3A_370 = arith.index_cast %parallel_loop3A_369 : i32 to index
        %parallel_loop3A_371 = arith.index_cast %parallel_loop3A_348 : i32 to index
        %parallel_loop3A_372 = arith.constant 32 : index
        %parallel_loop3A_373 = tpu.vector_load %arg6[%parallel_loop3A_370, %parallel_loop3A_371, %parallel_loop3A_372] {strides = array<i32>} : memref<4x128x64xf32, #tpu.memory_space<vmem>>, vector<16xf32>,
        %parallel_loop3A_374 = arith.constant 0 : i32
        %parallel_loop3A_375 = arith.index_cast %parallel_loop3A_374 : i32 to index
        %parallel_loop3A_376 = arith.index_cast %parallel_loop3A_348 : i32 to index
        %parallel_loop3A_377 = arith.constant 32 : index
        %parallel_loop3A_378 = tpu.vector_load %arg7[%parallel_loop3A_375, %parallel_loop3A_376, %parallel_loop3A_377] {strides = array<i32>} : memref<4x128x128xf32, #tpu.memory_space<vmem>>, vector<16xf32>,
        tpu.vector_store %arg7[%parallel_loop3A_375, %parallel_loop3A_376, %parallel_loop3A_377], %parallel_loop3A_373 {strides = array<i32>} : memref<4x128x128xf32, #tpu.memory_space<vmem>>, vector<16xf32>,
        %parallel_loop3A_379 = arith.constant 0 : i32
        %parallel_loop3A_380 = arith.index_cast %parallel_loop3A_379 : i32 to index
        %parallel_loop3A_381 = arith.index_cast %parallel_loop3A_348 : i32 to index
        %parallel_loop3A_382 = arith.constant 48 : index
        %parallel_loop3A_383 = tpu.vector_load %arg6[%parallel_loop3A_380, %parallel_loop3A_381, %parallel_loop3A_382] {strides = array<i32>} : memref<4x128x64xf32, #tpu.memory_space<vmem>>, vector<16xf32>,
        %parallel_loop3A_384 = arith.constant 0 : i32
        %parallel_loop3A_385 = arith.index_cast %parallel_loop3A_384 : i32 to index
        %parallel_loop3A_386 = arith.index_cast %parallel_loop3A_348 : i32 to index
        %parallel_loop3A_387 = arith.constant 48 : index
        %parallel_loop3A_388 = tpu.vector_load %arg7[%parallel_loop3A_385, %parallel_loop3A_386, %parallel_loop3A_387] {strides = array<i32>} : memref<4x128x128xf32, #tpu.memory_space<vmem>>, vector<16xf32>,
        tpu.vector_store %arg7[%parallel_loop3A_385, %parallel_loop3A_386, %parallel_loop3A_387], %parallel_loop3A_383 {strides = array<i32>} : memref<4x128x128xf32, #tpu.memory_space<vmem>>, vector<16xf32>,
      } {sc.loop_unroll_factor = 4 : i64, sc.parallel_access}
      %add3A_174 = arith.addi %mul3A_2, %add3A_154 : i32
      %mul3A_175 = arith.constant 128 : i32
      %mul3A_176 = arith.muli %add3A_174, %mul3A_175 : i32
      %dma_start3A_177 = arith.constant 0 : i32
      %dma_start3A_178 = arith.constant 0 : i32
      %dma_start3A_179 = arith.constant 0 : i32
      %dma_start3A_180 = arith.constant 0 : i32
      %dma_start3A_181 = tpu.memref_slice %arg7[%dma_start3A_177, %dma_start3A_179, %dma_start3A_180] : memref<4x128x128xf32, #tpu.memory_space<vmem>> -> memref<1x128x128xf32, #tpu.memory_space<vmem>>
      %dma_start3A_182 = tpu.memref_squeeze %dma_start3A_181 : memref<1x128x128xf32, #tpu.memory_space<vmem>> -> memref<128x128xf32, #tpu.memory_space<vmem>>
      %dma_start3A_183 = arith.constant 0 : i32
      %dma_start3A_184 = tpu.memref_slice %arg4[%mul3A_176, %dma_start3A_183] : memref<819200x128xf32, #tpu.memory_space<hbm>> -> memref<128x128xf32, #tpu.memory_space<hbm>>
      %dma_start3A_185 = tpu.memref_slice %arg9[%dma_start3A_178] : memref<4x!tpu.dma_semaphore, #tpu.memory_space<semaphore_mem>> -> memref<1x!tpu.dma_semaphore, #tpu.memory_space<semaphore_mem>>
      %dma_start3A_186 = tpu.memref_squeeze %dma_start3A_185 : memref<1x!tpu.dma_semaphore, #tpu.memory_space<semaphore_mem>> -> memref<!tpu.dma_semaphore, #tpu.memory_space<semaphore_mem>>
      %dma_start3A_187 = arith.constant 0 : i32
      %dma_start3A_188 = tpu.memref_slice %arg4[%mul3A_176, %dma_start3A_187] : memref<819200x128xf32, #tpu.memory_space<hbm>> -> memref<128x128xf32, #tpu.memory_space<hbm>>
      %dma_start3A_189 = arith.constant 0 : i32
      %dma_start3A_190 = arith.constant 0 : i32
      %dma_start3A_191 = tpu.memref_slice %arg7[%dma_start3A_177, %dma_start3A_189, %dma_start3A_190] : memref<4x128x128xf32, #tpu.memory_space<vmem>> -> memref<1x128x128xf32, #tpu.memory_space<vmem>>
      %dma_start3A_192 = tpu.memref_squeeze %dma_start3A_191 : memref<1x128x128xf32, #tpu.memory_space<vmem>> -> memref<128x128xf32, #tpu.memory_space<vmem>>
      tpu.enqueue_dma source(%dma_start3A_192 : memref<128x128xf32, #tpu.memory_space<vmem>>) target(%dma_start3A_188 : memref<128x128xf32, #tpu.memory_space<hbm>>) target_semaphore(%dma_start3A_186 : memref<!tpu.dma_semaphore, #tpu.memory_space<semaphore_mem>>)
      %lt3A = arith.constant 49 : i32
      %lt3A_193 = arith.cmpi slt, %scan3A_149, %lt3A : i32
      %convert_element_type3A_194 = arith.extui %lt3A_193 : i1 to i32
      %cond3A_195 = arith.constant 0 : i32
      %cond3A_196 = arith.cmpi ne, %convert_element_type3A_194, %cond3A_195 : i32
      scf.if %cond3A_196 {
        %add3A_348 = arith.constant 4 : i32
        %add3A_349 = arith.addi %add3A_154, %add3A_348 : i32
        %dma_start3A_350 = arith.constant 0 : i32
        %dma_start3A_351 = arith.constant 0 : i32
        %dma_start3A_352 = arith.constant 0 : i32
        %dma_start3A_353 = arith.constant 0 : i32
        %dma_start3A_354 = tpu.memref_slice %arg6[%dma_start3A_350, %dma_start3A_352, %dma_start3A_353] : memref<4x128x64xf32, #tpu.memory_space<vmem>> -> memref<1x128x64xf32, #tpu.memory_space<vmem>>
        %dma_start3A_355 = tpu.memref_squeeze %dma_start3A_354 : memref<1x128x64xf32, #tpu.memory_space<vmem>> -> memref<128x64xf32, #tpu.memory_space<vmem>>
        %dma_start3A_356 = arith.constant 0 : i32
        %dma_start3A_357 = tpu.memref_slice %arg5[%add3A_349, %dma_start3A_356] : memref<200x128xi32, #tpu.memory_space<vmem>> -> memref<1x128xi32, #tpu.memory_space<vmem>>
        %dma_start3A_358 = tpu.memref_squeeze %dma_start3A_357 : memref<1x128xi32, #tpu.memory_space<vmem>> -> memref<128xi32, #tpu.memory_space<vmem>>
        %dma_start3A_359 = arith.constant 0 : i32
        %dma_start3A_360 = arith.constant 0 : i32
        %dma_start3A_361 = tpu.memref_slice %arg3[%dma_start3A_359, %dma_start3A_360] : memref<1015808x64xf32, #tpu.memory_space<hbm>> -> memref<1015808x64xf32, #tpu.memory_space<hbm>>
        %dma_start3A_362 = tpu.memref_slice %arg8[%dma_start3A_351] : memref<4x!tpu.dma_semaphore, #tpu.memory_space<semaphore_mem>> -> memref<1x!tpu.dma_semaphore, #tpu.memory_space<semaphore_mem>>
        %dma_start3A_363 = tpu.memref_squeeze %dma_start3A_362 : memref<1x!tpu.dma_semaphore, #tpu.memory_space<semaphore_mem>> -> memref<!tpu.dma_semaphore, #tpu.memory_space<semaphore_mem>>
        tpu.enqueue_indirect_dma source(%dma_start3A_361 : memref<1015808x64xf32, #tpu.memory_space<hbm>>) target(%dma_start3A_355 : memref<128x64xf32, #tpu.memory_space<vmem>>) offsets(%dma_start3A_358 : memref<128xi32, #tpu.memory_space<vmem>>) semaphore(%dma_start3A_363 : memref<!tpu.dma_semaphore, #tpu.memory_space<semaphore_mem>>)
      } else {
      }
      %mul3A_197 = arith.constant 4 : i32
      %mul3A_198 = arith.muli %scan3A_149, %mul3A_197 : i32
      %add3A_199 = arith.constant 1 : i32
      %add3A_200 = arith.addi %mul3A_198, %add3A_199 : i32
      %dma_wait3A_201 = arith.constant 1 : i32
      %dma_wait3A_202 = arith.constant 1 : i32
      %dma_wait3A_203 = arith.constant 0 : i32
      %dma_wait3A_204 = arith.constant 0 : i32
      %dma_wait3A_205 = tpu.memref_slice %arg6[%dma_wait3A_201, %dma_wait3A_203, %dma_wait3A_204] : memref<4x128x64xf32, #tpu.memory_space<vmem>> -> memref<1x128x64xf32, #tpu.memory_space<vmem>>
      %dma_wait3A_206 = tpu.memref_squeeze %dma_wait3A_205 : memref<1x128x64xf32, #tpu.memory_space<vmem>> -> memref<128x64xf32, #tpu.memory_space<vmem>>
      %dma_wait3A_207 = arith.constant 0 : i32
      %dma_wait3A_208 = tpu.memref_slice %arg5[%add3A_200, %dma_wait3A_207] : memref<200x128xi32, #tpu.memory_space<vmem>> -> memref<1x128xi32, #tpu.memory_space<vmem>>
      %dma_wait3A_209 = tpu.memref_squeeze %dma_wait3A_208 : memref<1x128xi32, #tpu.memory_space<vmem>> -> memref<128xi32, #tpu.memory_space<vmem>>
      %dma_wait3A_210 = arith.constant 0 : i32
      %dma_wait3A_211 = arith.constant 0 : i32
      %dma_wait3A_212 = tpu.memref_slice %arg3[%dma_wait3A_210, %dma_wait3A_211] : memref<1015808x64xf32, #tpu.memory_space<hbm>> -> memref<1015808x64xf32, #tpu.memory_space<hbm>>
      %dma_wait3A_213 = tpu.memref_slice %arg8[%dma_wait3A_202] : memref<4x!tpu.dma_semaphore, #tpu.memory_space<semaphore_mem>> -> memref<1x!tpu.dma_semaphore, #tpu.memory_space<semaphore_mem>>
      %dma_wait3A_214 = tpu.memref_squeeze %dma_wait3A_213 : memref<1x!tpu.dma_semaphore, #tpu.memory_space<semaphore_mem>> -> memref<!tpu.dma_semaphore, #tpu.memory_space<semaphore_mem>>
      tpu.wait_indirect_dma semaphore(%dma_wait3A_214 : memref<!tpu.dma_semaphore, #tpu.memory_space<semaphore_mem>>) src(%dma_wait3A_212 : memref<1015808x64xf32, #tpu.memory_space<hbm>>) dst(%dma_wait3A_206 : memref<128x64xf32, #tpu.memory_space<vmem>>)
      %ge3A_215 = arith.constant 1 : i32
      %ge3A_216 = arith.cmpi sge, %scan3A_149, %ge3A_215 : i32
      %convert_element_type3A_217 = arith.extui %ge3A_216 : i1 to i32
      %cond3A_218 = arith.constant 0 : i32
      %cond3A_219 = arith.cmpi ne, %convert_element_type3A_217, %cond3A_218 : i32
      scf.if %cond3A_219 {
        %sub3A = arith.constant 4 : i32
        %sub3A_348 = arith.subi %add3A_200, %sub3A : i32
        %add3A_349 = arith.addi %mul3A_2, %sub3A_348 : i32
        %mul3A_350 = arith.constant 128 : i32
        %mul3A_351 = arith.muli %add3A_349, %mul3A_350 : i32
        %dma_wait3A_352 = arith.constant 1 : i32
        %dma_wait3A_353 = arith.constant 1 : i32
        %dma_wait3A_354 = arith.constant 0 : i32
        %dma_wait3A_355 = arith.constant 0 : i32
        %dma_wait3A_356 = tpu.memref_slice %arg7[%dma_wait3A_352, %dma_wait3A_354, %dma_wait3A_355] : memref<4x128x128xf32, #tpu.memory_space<vmem>> -> memref<1x128x128xf32, #tpu.memory_space<vmem>>
        %dma_wait3A_357 = tpu.memref_squeeze %dma_wait3A_356 : memref<1x128x128xf32, #tpu.memory_space<vmem>> -> memref<128x128xf32, #tpu.memory_space<vmem>>
        %dma_wait3A_358 = arith.constant 0 : i32
        %dma_wait3A_359 = tpu.memref_slice %arg4[%mul3A_351, %dma_wait3A_358] : memref<819200x128xf32, #tpu.memory_space<hbm>> -> memref<128x128xf32, #tpu.memory_space<hbm>>
        %dma_wait3A_360 = tpu.memref_slice %arg9[%dma_wait3A_353] : memref<4x!tpu.dma_semaphore, #tpu.memory_space<semaphore_mem>> -> memref<1x!tpu.dma_semaphore, #tpu.memory_space<semaphore_mem>>
        %dma_wait3A_361 = tpu.memref_squeeze %dma_wait3A_360 : memref<1x!tpu.dma_semaphore, #tpu.memory_space<semaphore_mem>> -> memref<!tpu.dma_semaphore, #tpu.memory_space<semaphore_mem>>
        %dma_wait3A_362 = arith.constant 0 : i32
        %dma_wait3A_363 = tpu.memref_slice %arg4[%mul3A_351, %dma_wait3A_362] : memref<819200x128xf32, #tpu.memory_space<hbm>> -> memref<128x128xf32, #tpu.memory_space<hbm>>
        %dma_wait3A_364 = arith.constant 0 : i32
        %dma_wait3A_365 = arith.constant 0 : i32
        %dma_wait3A_366 = tpu.memref_slice %arg7[%dma_wait3A_352, %dma_wait3A_364, %dma_wait3A_365] : memref<4x128x128xf32, #tpu.memory_space<vmem>> -> memref<1x128x128xf32, #tpu.memory_space<vmem>>
        %dma_wait3A_367 = tpu.memref_squeeze %dma_wait3A_366 : memref<1x128x128xf32, #tpu.memory_space<vmem>> -> memref<128x128xf32, #tpu.memory_space<vmem>>
        tpu.wait_dma2 semaphore(%dma_wait3A_361 : memref<!tpu.dma_semaphore, #tpu.memory_space<semaphore_mem>>) src(%dma_wait3A_367 : memref<128x128xf32, #tpu.memory_space<vmem>>) dst(%dma_wait3A_363 : memref<128x128xf32, #tpu.memory_space<hbm>>)
      } else {
      }
      %parallel_loop3A_220 = arith.constant 0 : i32
      %parallel_loop3A_221 = arith.constant 128 : i32
      %parallel_loop3A_222 = arith.constant 1 : i32
      scf.for %parallel_loop3A_348 = %parallel_loop3A_220 to %parallel_loop3A_221 step %parallel_loop3A_222  : i32 {
        %parallel_loop3A_349 = arith.constant 1 : i32
        %parallel_loop3A_350 = arith.index_cast %parallel_loop3A_349 : i32 to index
        %parallel_loop3A_351 = arith.index_cast %parallel_loop3A_348 : i32 to index
        %parallel_loop3A_352 = arith.constant 0 : index
        %parallel_loop3A_353 = tpu.vector_load %arg6[%parallel_loop3A_350, %parallel_loop3A_351, %parallel_loop3A_352] {strides = array<i32>} : memref<4x128x64xf32, #tpu.memory_space<vmem>>, vector<16xf32>,
        %parallel_loop3A_354 = arith.constant 1 : i32
        %parallel_loop3A_355 = arith.index_cast %parallel_loop3A_354 : i32 to index
        %parallel_loop3A_356 = arith.index_cast %parallel_loop3A_348 : i32 to index
        %parallel_loop3A_357 = arith.constant 0 : index
        %parallel_loop3A_358 = tpu.vector_load %arg7[%parallel_loop3A_355, %parallel_loop3A_356, %parallel_loop3A_357] {strides = array<i32>} : memref<4x128x128xf32, #tpu.memory_space<vmem>>, vector<16xf32>,
        tpu.vector_store %arg7[%parallel_loop3A_355, %parallel_loop3A_356, %parallel_loop3A_357], %parallel_loop3A_353 {strides = array<i32>} : memref<4x128x128xf32, #tpu.memory_space<vmem>>, vector<16xf32>,
        %parallel_loop3A_359 = arith.constant 1 : i32
        %parallel_loop3A_360 = arith.index_cast %parallel_loop3A_359 : i32 to index
        %parallel_loop3A_361 = arith.index_cast %parallel_loop3A_348 : i32 to index
        %parallel_loop3A_362 = arith.constant 16 : index
        %parallel_loop3A_363 = tpu.vector_load %arg6[%parallel_loop3A_360, %parallel_loop3A_361, %parallel_loop3A_362] {strides = array<i32>} : memref<4x128x64xf32, #tpu.memory_space<vmem>>, vector<16xf32>,
        %parallel_loop3A_364 = arith.constant 1 : i32
        %parallel_loop3A_365 = arith.index_cast %parallel_loop3A_364 : i32 to index
        %parallel_loop3A_366 = arith.index_cast %parallel_loop3A_348 : i32 to index
        %parallel_loop3A_367 = arith.constant 16 : index
        %parallel_loop3A_368 = tpu.vector_load %arg7[%parallel_loop3A_365, %parallel_loop3A_366, %parallel_loop3A_367] {strides = array<i32>} : memref<4x128x128xf32, #tpu.memory_space<vmem>>, vector<16xf32>,
        tpu.vector_store %arg7[%parallel_loop3A_365, %parallel_loop3A_366, %parallel_loop3A_367], %parallel_loop3A_363 {strides = array<i32>} : memref<4x128x128xf32, #tpu.memory_space<vmem>>, vector<16xf32>,
        %parallel_loop3A_369 = arith.constant 1 : i32
        %parallel_loop3A_370 = arith.index_cast %parallel_loop3A_369 : i32 to index
        %parallel_loop3A_371 = arith.index_cast %parallel_loop3A_348 : i32 to index
        %parallel_loop3A_372 = arith.constant 32 : index
        %parallel_loop3A_373 = tpu.vector_load %arg6[%parallel_loop3A_370, %parallel_loop3A_371, %parallel_loop3A_372] {strides = array<i32>} : memref<4x128x64xf32, #tpu.memory_space<vmem>>, vector<16xf32>,
        %parallel_loop3A_374 = arith.constant 1 : i32
        %parallel_loop3A_375 = arith.index_cast %parallel_loop3A_374 : i32 to index
        %parallel_loop3A_376 = arith.index_cast %parallel_loop3A_348 : i32 to index
        %parallel_loop3A_377 = arith.constant 32 : index
        %parallel_loop3A_378 = tpu.vector_load %arg7[%parallel_loop3A_375, %parallel_loop3A_376, %parallel_loop3A_377] {strides = array<i32>} : memref<4x128x128xf32, #tpu.memory_space<vmem>>, vector<16xf32>,
        tpu.vector_store %arg7[%parallel_loop3A_375, %parallel_loop3A_376, %parallel_loop3A_377], %parallel_loop3A_373 {strides = array<i32>} : memref<4x128x128xf32, #tpu.memory_space<vmem>>, vector<16xf32>,
        %parallel_loop3A_379 = arith.constant 1 : i32
        %parallel_loop3A_380 = arith.index_cast %parallel_loop3A_379 : i32 to index
        %parallel_loop3A_381 = arith.index_cast %parallel_loop3A_348 : i32 to index
        %parallel_loop3A_382 = arith.constant 48 : index
        %parallel_loop3A_383 = tpu.vector_load %arg6[%parallel_loop3A_380, %parallel_loop3A_381, %parallel_loop3A_382] {strides = array<i32>} : memref<4x128x64xf32, #tpu.memory_space<vmem>>, vector<16xf32>,
        %parallel_loop3A_384 = arith.constant 1 : i32
        %parallel_loop3A_385 = arith.index_cast %parallel_loop3A_384 : i32 to index
        %parallel_loop3A_386 = arith.index_cast %parallel_loop3A_348 : i32 to index
        %parallel_loop3A_387 = arith.constant 48 : index
        %parallel_loop3A_388 = tpu.vector_load %arg7[%parallel_loop3A_385, %parallel_loop3A_386, %parallel_loop3A_387] {strides = array<i32>} : memref<4x128x128xf32, #tpu.memory_space<vmem>>, vector<16xf32>,
        tpu.vector_store %arg7[%parallel_loop3A_385, %parallel_loop3A_386, %parallel_loop3A_387], %parallel_loop3A_383 {strides = array<i32>} : memref<4x128x128xf32, #tpu.memory_space<vmem>>, vector<16xf32>,
      } {sc.loop_unroll_factor = 4 : i64, sc.parallel_access}
      %add3A_223 = arith.addi %mul3A_2, %add3A_200 : i32
      %mul3A_224 = arith.constant 128 : i32
      %mul3A_225 = arith.muli %add3A_223, %mul3A_224 : i32
      %dma_start3A_226 = arith.constant 1 : i32
      %dma_start3A_227 = arith.constant 1 : i32
      %dma_start3A_228 = arith.constant 0 : i32
      %dma_start3A_229 = arith.constant 0 : i32
      %dma_start3A_230 = tpu.memref_slice %arg7[%dma_start3A_226, %dma_start3A_228, %dma_start3A_229] : memref<4x128x128xf32, #tpu.memory_space<vmem>> -> memref<1x128x128xf32, #tpu.memory_space<vmem>>
      %dma_start3A_231 = tpu.memref_squeeze %dma_start3A_230 : memref<1x128x128xf32, #tpu.memory_space<vmem>> -> memref<128x128xf32, #tpu.memory_space<vmem>>
      %dma_start3A_232 = arith.constant 0 : i32
      %dma_start3A_233 = tpu.memref_slice %arg4[%mul3A_225, %dma_start3A_232] : memref<819200x128xf32, #tpu.memory_space<hbm>> -> memref<128x128xf32, #tpu.memory_space<hbm>>
      %dma_start3A_234 = tpu.memref_slice %arg9[%dma_start3A_227] : memref<4x!tpu.dma_semaphore, #tpu.memory_space<semaphore_mem>> -> memref<1x!tpu.dma_semaphore, #tpu.memory_space<semaphore_mem>>
      %dma_start3A_235 = tpu.memref_squeeze %dma_start3A_234 : memref<1x!tpu.dma_semaphore, #tpu.memory_space<semaphore_mem>> -> memref<!tpu.dma_semaphore, #tpu.memory_space<semaphore_mem>>
      %dma_start3A_236 = arith.constant 0 : i32
      %dma_start3A_237 = tpu.memref_slice %arg4[%mul3A_225, %dma_start3A_236] : memref<819200x128xf32, #tpu.memory_space<hbm>> -> memref<128x128xf32, #tpu.memory_space<hbm>>
      %dma_start3A_238 = arith.constant 0 : i32
      %dma_start3A_239 = arith.constant 0 : i32
      %dma_start3A_240 = tpu.memref_slice %arg7[%dma_start3A_226, %dma_start3A_238, %dma_start3A_239] : memref<4x128x128xf32, #tpu.memory_space<vmem>> -> memref<1x128x128xf32, #tpu.memory_space<vmem>>
      %dma_start3A_241 = tpu.memref_squeeze %dma_start3A_240 : memref<1x128x128xf32, #tpu.memory_space<vmem>> -> memref<128x128xf32, #tpu.memory_space<vmem>>
      tpu.enqueue_dma source(%dma_start3A_241 : memref<128x128xf32, #tpu.memory_space<vmem>>) target(%dma_start3A_237 : memref<128x128xf32, #tpu.memory_space<hbm>>) target_semaphore(%dma_start3A_235 : memref<!tpu.dma_semaphore, #tpu.memory_space<semaphore_mem>>)
      %lt3A_242 = arith.constant 49 : i32
      %lt3A_243 = arith.cmpi slt, %scan3A_149, %lt3A_242 : i32
      %convert_element_type3A_244 = arith.extui %lt3A_243 : i1 to i32
      %cond3A_245 = arith.constant 0 : i32
      %cond3A_246 = arith.cmpi ne, %convert_element_type3A_244, %cond3A_245 : i32
      scf.if %cond3A_246 {
        %add3A_348 = arith.constant 4 : i32
        %add3A_349 = arith.addi %add3A_200, %add3A_348 : i32
        %dma_start3A_350 = arith.constant 1 : i32
        %dma_start3A_351 = arith.constant 1 : i32
        %dma_start3A_352 = arith.constant 0 : i32
        %dma_start3A_353 = arith.constant 0 : i32
        %dma_start3A_354 = tpu.memref_slice %arg6[%dma_start3A_350, %dma_start3A_352, %dma_start3A_353] : memref<4x128x64xf32, #tpu.memory_space<vmem>> -> memref<1x128x64xf32, #tpu.memory_space<vmem>>
        %dma_start3A_355 = tpu.memref_squeeze %dma_start3A_354 : memref<1x128x64xf32, #tpu.memory_space<vmem>> -> memref<128x64xf32, #tpu.memory_space<vmem>>
        %dma_start3A_356 = arith.constant 0 : i32
        %dma_start3A_357 = tpu.memref_slice %arg5[%add3A_349, %dma_start3A_356] : memref<200x128xi32, #tpu.memory_space<vmem>> -> memref<1x128xi32, #tpu.memory_space<vmem>>
        %dma_start3A_358 = tpu.memref_squeeze %dma_start3A_357 : memref<1x128xi32, #tpu.memory_space<vmem>> -> memref<128xi32, #tpu.memory_space<vmem>>
        %dma_start3A_359 = arith.constant 0 : i32
        %dma_start3A_360 = arith.constant 0 : i32
        %dma_start3A_361 = tpu.memref_slice %arg3[%dma_start3A_359, %dma_start3A_360] : memref<1015808x64xf32, #tpu.memory_space<hbm>> -> memref<1015808x64xf32, #tpu.memory_space<hbm>>
        %dma_start3A_362 = tpu.memref_slice %arg8[%dma_start3A_351] : memref<4x!tpu.dma_semaphore, #tpu.memory_space<semaphore_mem>> -> memref<1x!tpu.dma_semaphore, #tpu.memory_space<semaphore_mem>>
        %dma_start3A_363 = tpu.memref_squeeze %dma_start3A_362 : memref<1x!tpu.dma_semaphore, #tpu.memory_space<semaphore_mem>> -> memref<!tpu.dma_semaphore, #tpu.memory_space<semaphore_mem>>
        tpu.enqueue_indirect_dma source(%dma_start3A_361 : memref<1015808x64xf32, #tpu.memory_space<hbm>>) target(%dma_start3A_355 : memref<128x64xf32, #tpu.memory_space<vmem>>) offsets(%dma_start3A_358 : memref<128xi32, #tpu.memory_space<vmem>>) semaphore(%dma_start3A_363 : memref<!tpu.dma_semaphore, #tpu.memory_space<semaphore_mem>>)
      } else {
      }
      %mul3A_247 = arith.constant 4 : i32
      %mul3A_248 = arith.muli %scan3A_149, %mul3A_247 : i32
      %add3A_249 = arith.constant 2 : i32
      %add3A_250 = arith.addi %mul3A_248, %add3A_249 : i32
      %dma_wait3A_251 = arith.constant 2 : i32
      %dma_wait3A_252 = arith.constant 2 : i32
      %dma_wait3A_253 = arith.constant 0 : i32
      %dma_wait3A_254 = arith.constant 0 : i32
      %dma_wait3A_255 = tpu.memref_slice %arg6[%dma_wait3A_251, %dma_wait3A_253, %dma_wait3A_254] : memref<4x128x64xf32, #tpu.memory_space<vmem>> -> memref<1x128x64xf32, #tpu.memory_space<vmem>>
      %dma_wait3A_256 = tpu.memref_squeeze %dma_wait3A_255 : memref<1x128x64xf32, #tpu.memory_space<vmem>> -> memref<128x64xf32, #tpu.memory_space<vmem>>
      %dma_wait3A_257 = arith.constant 0 : i32
      %dma_wait3A_258 = tpu.memref_slice %arg5[%add3A_250, %dma_wait3A_257] : memref<200x128xi32, #tpu.memory_space<vmem>> -> memref<1x128xi32, #tpu.memory_space<vmem>>
      %dma_wait3A_259 = tpu.memref_squeeze %dma_wait3A_258 : memref<1x128xi32, #tpu.memory_space<vmem>> -> memref<128xi32, #tpu.memory_space<vmem>>
      %dma_wait3A_260 = arith.constant 0 : i32
      %dma_wait3A_261 = arith.constant 0 : i32
      %dma_wait3A_262 = tpu.memref_slice %arg3[%dma_wait3A_260, %dma_wait3A_261] : memref<1015808x64xf32, #tpu.memory_space<hbm>> -> memref<1015808x64xf32, #tpu.memory_space<hbm>>
      %dma_wait3A_263 = tpu.memref_slice %arg8[%dma_wait3A_252] : memref<4x!tpu.dma_semaphore, #tpu.memory_space<semaphore_mem>> -> memref<1x!tpu.dma_semaphore, #tpu.memory_space<semaphore_mem>>
      %dma_wait3A_264 = tpu.memref_squeeze %dma_wait3A_263 : memref<1x!tpu.dma_semaphore, #tpu.memory_space<semaphore_mem>> -> memref<!tpu.dma_semaphore, #tpu.memory_space<semaphore_mem>>
      tpu.wait_indirect_dma semaphore(%dma_wait3A_264 : memref<!tpu.dma_semaphore, #tpu.memory_space<semaphore_mem>>) src(%dma_wait3A_262 : memref<1015808x64xf32, #tpu.memory_space<hbm>>) dst(%dma_wait3A_256 : memref<128x64xf32, #tpu.memory_space<vmem>>)
      %ge3A_265 = arith.constant 1 : i32
      %ge3A_266 = arith.cmpi sge, %scan3A_149, %ge3A_265 : i32
      %convert_element_type3A_267 = arith.extui %ge3A_266 : i1 to i32
      %cond3A_268 = arith.constant 0 : i32
      %cond3A_269 = arith.cmpi ne, %convert_element_type3A_267, %cond3A_268 : i32
      scf.if %cond3A_269 {
        %sub3A = arith.constant 4 : i32
        %sub3A_348 = arith.subi %add3A_250, %sub3A : i32
        %add3A_349 = arith.addi %mul3A_2, %sub3A_348 : i32
        %mul3A_350 = arith.constant 128 : i32
        %mul3A_351 = arith.muli %add3A_349, %mul3A_350 : i32
        %dma_wait3A_352 = arith.constant 2 : i32
        %dma_wait3A_353 = arith.constant 2 : i32
        %dma_wait3A_354 = arith.constant 0 : i32
        %dma_wait3A_355 = arith.constant 0 : i32
        %dma_wait3A_356 = tpu.memref_slice %arg7[%dma_wait3A_352, %dma_wait3A_354, %dma_wait3A_355] : memref<4x128x128xf32, #tpu.memory_space<vmem>> -> memref<1x128x128xf32, #tpu.memory_space<vmem>>
        %dma_wait3A_357 = tpu.memref_squeeze %dma_wait3A_356 : memref<1x128x128xf32, #tpu.memory_space<vmem>> -> memref<128x128xf32, #tpu.memory_space<vmem>>
        %dma_wait3A_358 = arith.constant 0 : i32
        %dma_wait3A_359 = tpu.memref_slice %arg4[%mul3A_351, %dma_wait3A_358] : memref<819200x128xf32, #tpu.memory_space<hbm>> -> memref<128x128xf32, #tpu.memory_space<hbm>>
        %dma_wait3A_360 = tpu.memref_slice %arg9[%dma_wait3A_353] : memref<4x!tpu.dma_semaphore, #tpu.memory_space<semaphore_mem>> -> memref<1x!tpu.dma_semaphore, #tpu.memory_space<semaphore_mem>>
        %dma_wait3A_361 = tpu.memref_squeeze %dma_wait3A_360 : memref<1x!tpu.dma_semaphore, #tpu.memory_space<semaphore_mem>> -> memref<!tpu.dma_semaphore, #tpu.memory_space<semaphore_mem>>
        %dma_wait3A_362 = arith.constant 0 : i32
        %dma_wait3A_363 = tpu.memref_slice %arg4[%mul3A_351, %dma_wait3A_362] : memref<819200x128xf32, #tpu.memory_space<hbm>> -> memref<128x128xf32, #tpu.memory_space<hbm>>
        %dma_wait3A_364 = arith.constant 0 : i32
        %dma_wait3A_365 = arith.constant 0 : i32
        %dma_wait3A_366 = tpu.memref_slice %arg7[%dma_wait3A_352, %dma_wait3A_364, %dma_wait3A_365] : memref<4x128x128xf32, #tpu.memory_space<vmem>> -> memref<1x128x128xf32, #tpu.memory_space<vmem>>
        %dma_wait3A_367 = tpu.memref_squeeze %dma_wait3A_366 : memref<1x128x128xf32, #tpu.memory_space<vmem>> -> memref<128x128xf32, #tpu.memory_space<vmem>>
        tpu.wait_dma2 semaphore(%dma_wait3A_361 : memref<!tpu.dma_semaphore, #tpu.memory_space<semaphore_mem>>) src(%dma_wait3A_367 : memref<128x128xf32, #tpu.memory_space<vmem>>) dst(%dma_wait3A_363 : memref<128x128xf32, #tpu.memory_space<hbm>>)
      } else {
      }
      %parallel_loop3A_270 = arith.constant 0 : i32
      %parallel_loop3A_271 = arith.constant 128 : i32
      %parallel_loop3A_272 = arith.constant 1 : i32
      scf.for %parallel_loop3A_348 = %parallel_loop3A_270 to %parallel_loop3A_271 step %parallel_loop3A_272  : i32 {
        %parallel_loop3A_349 = arith.constant 2 : i32
        %parallel_loop3A_350 = arith.index_cast %parallel_loop3A_349 : i32 to index
        %parallel_loop3A_351 = arith.index_cast %parallel_loop3A_348 : i32 to index
        %parallel_loop3A_352 = arith.constant 0 : index
        %parallel_loop3A_353 = tpu.vector_load %arg6[%parallel_loop3A_350, %parallel_loop3A_351, %parallel_loop3A_352] {strides = array<i32>} : memref<4x128x64xf32, #tpu.memory_space<vmem>>, vector<16xf32>,
        %parallel_loop3A_354 = arith.constant 2 : i32
        %parallel_loop3A_355 = arith.index_cast %parallel_loop3A_354 : i32 to index
        %parallel_loop3A_356 = arith.index_cast %parallel_loop3A_348 : i32 to index
        %parallel_loop3A_357 = arith.constant 0 : index
        %parallel_loop3A_358 = tpu.vector_load %arg7[%parallel_loop3A_355, %parallel_loop3A_356, %parallel_loop3A_357] {strides = array<i32>} : memref<4x128x128xf32, #tpu.memory_space<vmem>>, vector<16xf32>,
        tpu.vector_store %arg7[%parallel_loop3A_355, %parallel_loop3A_356, %parallel_loop3A_357], %parallel_loop3A_353 {strides = array<i32>} : memref<4x128x128xf32, #tpu.memory_space<vmem>>, vector<16xf32>,
        %parallel_loop3A_359 = arith.constant 2 : i32
        %parallel_loop3A_360 = arith.index_cast %parallel_loop3A_359 : i32 to index
        %parallel_loop3A_361 = arith.index_cast %parallel_loop3A_348 : i32 to index
        %parallel_loop3A_362 = arith.constant 16 : index
        %parallel_loop3A_363 = tpu.vector_load %arg6[%parallel_loop3A_360, %parallel_loop3A_361, %parallel_loop3A_362] {strides = array<i32>} : memref<4x128x64xf32, #tpu.memory_space<vmem>>, vector<16xf32>,
        %parallel_loop3A_364 = arith.constant 2 : i32
        %parallel_loop3A_365 = arith.index_cast %parallel_loop3A_364 : i32 to index
        %parallel_loop3A_366 = arith.index_cast %parallel_loop3A_348 : i32 to index
        %parallel_loop3A_367 = arith.constant 16 : index
        %parallel_loop3A_368 = tpu.vector_load %arg7[%parallel_loop3A_365, %parallel_loop3A_366, %parallel_loop3A_367] {strides = array<i32>} : memref<4x128x128xf32, #tpu.memory_space<vmem>>, vector<16xf32>,
        tpu.vector_store %arg7[%parallel_loop3A_365, %parallel_loop3A_366, %parallel_loop3A_367], %parallel_loop3A_363 {strides = array<i32>} : memref<4x128x128xf32, #tpu.memory_space<vmem>>, vector<16xf32>,
        %parallel_loop3A_369 = arith.constant 2 : i32
        %parallel_loop3A_370 = arith.index_cast %parallel_loop3A_369 : i32 to index
        %parallel_loop3A_371 = arith.index_cast %parallel_loop3A_348 : i32 to index
        %parallel_loop3A_372 = arith.constant 32 : index
        %parallel_loop3A_373 = tpu.vector_load %arg6[%parallel_loop3A_370, %parallel_loop3A_371, %parallel_loop3A_372] {strides = array<i32>} : memref<4x128x64xf32, #tpu.memory_space<vmem>>, vector<16xf32>,
        %parallel_loop3A_374 = arith.constant 2 : i32
        %parallel_loop3A_375 = arith.index_cast %parallel_loop3A_374 : i32 to index
        %parallel_loop3A_376 = arith.index_cast %parallel_loop3A_348 : i32 to index
        %parallel_loop3A_377 = arith.constant 32 : index
        %parallel_loop3A_378 = tpu.vector_load %arg7[%parallel_loop3A_375, %parallel_loop3A_376, %parallel_loop3A_377] {strides = array<i32>} : memref<4x128x128xf32, #tpu.memory_space<vmem>>, vector<16xf32>,
        tpu.vector_store %arg7[%parallel_loop3A_375, %parallel_loop3A_376, %parallel_loop3A_377], %parallel_loop3A_373 {strides = array<i32>} : memref<4x128x128xf32, #tpu.memory_space<vmem>>, vector<16xf32>,
        %parallel_loop3A_379 = arith.constant 2 : i32
        %parallel_loop3A_380 = arith.index_cast %parallel_loop3A_379 : i32 to index
        %parallel_loop3A_381 = arith.index_cast %parallel_loop3A_348 : i32 to index
        %parallel_loop3A_382 = arith.constant 48 : index
        %parallel_loop3A_383 = tpu.vector_load %arg6[%parallel_loop3A_380, %parallel_loop3A_381, %parallel_loop3A_382] {strides = array<i32>} : memref<4x128x64xf32, #tpu.memory_space<vmem>>, vector<16xf32>,
        %parallel_loop3A_384 = arith.constant 2 : i32
        %parallel_loop3A_385 = arith.index_cast %parallel_loop3A_384 : i32 to index
        %parallel_loop3A_386 = arith.index_cast %parallel_loop3A_348 : i32 to index
        %parallel_loop3A_387 = arith.constant 48 : index
        %parallel_loop3A_388 = tpu.vector_load %arg7[%parallel_loop3A_385, %parallel_loop3A_386, %parallel_loop3A_387] {strides = array<i32>} : memref<4x128x128xf32, #tpu.memory_space<vmem>>, vector<16xf32>,
        tpu.vector_store %arg7[%parallel_loop3A_385, %parallel_loop3A_386, %parallel_loop3A_387], %parallel_loop3A_383 {strides = array<i32>} : memref<4x128x128xf32, #tpu.memory_space<vmem>>, vector<16xf32>,
      } {sc.loop_unroll_factor = 4 : i64, sc.parallel_access}
      %add3A_273 = arith.addi %mul3A_2, %add3A_250 : i32
      %mul3A_274 = arith.constant 128 : i32
      %mul3A_275 = arith.muli %add3A_273, %mul3A_274 : i32
      %dma_start3A_276 = arith.constant 2 : i32
      %dma_start3A_277 = arith.constant 2 : i32
      %dma_start3A_278 = arith.constant 0 : i32
      %dma_start3A_279 = arith.constant 0 : i32
      %dma_start3A_280 = tpu.memref_slice %arg7[%dma_start3A_276, %dma_start3A_278, %dma_start3A_279] : memref<4x128x128xf32, #tpu.memory_space<vmem>> -> memref<1x128x128xf32, #tpu.memory_space<vmem>>
      %dma_start3A_281 = tpu.memref_squeeze %dma_start3A_280 : memref<1x128x128xf32, #tpu.memory_space<vmem>> -> memref<128x128xf32, #tpu.memory_space<vmem>>
      %dma_start3A_282 = arith.constant 0 : i32
      %dma_start3A_283 = tpu.memref_slice %arg4[%mul3A_275, %dma_start3A_282] : memref<819200x128xf32, #tpu.memory_space<hbm>> -> memref<128x128xf32, #tpu.memory_space<hbm>>
      %dma_start3A_284 = tpu.memref_slice %arg9[%dma_start3A_277] : memref<4x!tpu.dma_semaphore, #tpu.memory_space<semaphore_mem>> -> memref<1x!tpu.dma_semaphore, #tpu.memory_space<semaphore_mem>>
      %dma_start3A_285 = tpu.memref_squeeze %dma_start3A_284 : memref<1x!tpu.dma_semaphore, #tpu.memory_space<semaphore_mem>> -> memref<!tpu.dma_semaphore, #tpu.memory_space<semaphore_mem>>
      %dma_start3A_286 = arith.constant 0 : i32
      %dma_start3A_287 = tpu.memref_slice %arg4[%mul3A_275, %dma_start3A_286] : memref<819200x128xf32, #tpu.memory_space<hbm>> -> memref<128x128xf32, #tpu.memory_space<hbm>>
      %dma_start3A_288 = arith.constant 0 : i32
      %dma_start3A_289 = arith.constant 0 : i32
      %dma_start3A_290 = tpu.memref_slice %arg7[%dma_start3A_276, %dma_start3A_288, %dma_start3A_289] : memref<4x128x128xf32, #tpu.memory_space<vmem>> -> memref<1x128x128xf32, #tpu.memory_space<vmem>>
      %dma_start3A_291 = tpu.memref_squeeze %dma_start3A_290 : memref<1x128x128xf32, #tpu.memory_space<vmem>> -> memref<128x128xf32, #tpu.memory_space<vmem>>
      tpu.enqueue_dma source(%dma_start3A_291 : memref<128x128xf32, #tpu.memory_space<vmem>>) target(%dma_start3A_287 : memref<128x128xf32, #tpu.memory_space<hbm>>) target_semaphore(%dma_start3A_285 : memref<!tpu.dma_semaphore, #tpu.memory_space<semaphore_mem>>)
      %lt3A_292 = arith.constant 49 : i32
      %lt3A_293 = arith.cmpi slt, %scan3A_149, %lt3A_292 : i32
      %convert_element_type3A_294 = arith.extui %lt3A_293 : i1 to i32
      %cond3A_295 = arith.constant 0 : i32
      %cond3A_296 = arith.cmpi ne, %convert_element_type3A_294, %cond3A_295 : i32
      scf.if %cond3A_296 {
        %add3A_348 = arith.constant 4 : i32
        %add3A_349 = arith.addi %add3A_250, %add3A_348 : i32
        %dma_start3A_350 = arith.constant 2 : i32
        %dma_start3A_351 = arith.constant 2 : i32
        %dma_start3A_352 = arith.constant 0 : i32
        %dma_start3A_353 = arith.constant 0 : i32
        %dma_start3A_354 = tpu.memref_slice %arg6[%dma_start3A_350, %dma_start3A_352, %dma_start3A_353] : memref<4x128x64xf32, #tpu.memory_space<vmem>> -> memref<1x128x64xf32, #tpu.memory_space<vmem>>
        %dma_start3A_355 = tpu.memref_squeeze %dma_start3A_354 : memref<1x128x64xf32, #tpu.memory_space<vmem>> -> memref<128x64xf32, #tpu.memory_space<vmem>>
        %dma_start3A_356 = arith.constant 0 : i32
        %dma_start3A_357 = tpu.memref_slice %arg5[%add3A_349, %dma_start3A_356] : memref<200x128xi32, #tpu.memory_space<vmem>> -> memref<1x128xi32, #tpu.memory_space<vmem>>
        %dma_start3A_358 = tpu.memref_squeeze %dma_start3A_357 : memref<1x128xi32, #tpu.memory_space<vmem>> -> memref<128xi32, #tpu.memory_space<vmem>>
        %dma_start3A_359 = arith.constant 0 : i32
        %dma_start3A_360 = arith.constant 0 : i32
        %dma_start3A_361 = tpu.memref_slice %arg3[%dma_start3A_359, %dma_start3A_360] : memref<1015808x64xf32, #tpu.memory_space<hbm>> -> memref<1015808x64xf32, #tpu.memory_space<hbm>>
        %dma_start3A_362 = tpu.memref_slice %arg8[%dma_start3A_351] : memref<4x!tpu.dma_semaphore, #tpu.memory_space<semaphore_mem>> -> memref<1x!tpu.dma_semaphore, #tpu.memory_space<semaphore_mem>>
        %dma_start3A_363 = tpu.memref_squeeze %dma_start3A_362 : memref<1x!tpu.dma_semaphore, #tpu.memory_space<semaphore_mem>> -> memref<!tpu.dma_semaphore, #tpu.memory_space<semaphore_mem>>
        tpu.enqueue_indirect_dma source(%dma_start3A_361 : memref<1015808x64xf32, #tpu.memory_space<hbm>>) target(%dma_start3A_355 : memref<128x64xf32, #tpu.memory_space<vmem>>) offsets(%dma_start3A_358 : memref<128xi32, #tpu.memory_space<vmem>>) semaphore(%dma_start3A_363 : memref<!tpu.dma_semaphore, #tpu.memory_space<semaphore_mem>>)
      } else {
      }
      %mul3A_297 = arith.constant 4 : i32
      %mul3A_298 = arith.muli %scan3A_149, %mul3A_297 : i32
      %add3A_299 = arith.constant 3 : i32
      %add3A_300 = arith.addi %mul3A_298, %add3A_299 : i32
      %dma_wait3A_301 = arith.constant 3 : i32
      %dma_wait3A_302 = arith.constant 3 : i32
      %dma_wait3A_303 = arith.constant 0 : i32
      %dma_wait3A_304 = arith.constant 0 : i32
      %dma_wait3A_305 = tpu.memref_slice %arg6[%dma_wait3A_301, %dma_wait3A_303, %dma_wait3A_304] : memref<4x128x64xf32, #tpu.memory_space<vmem>> -> memref<1x128x64xf32, #tpu.memory_space<vmem>>
      %dma_wait3A_306 = tpu.memref_squeeze %dma_wait3A_305 : memref<1x128x64xf32, #tpu.memory_space<vmem>> -> memref<128x64xf32, #tpu.memory_space<vmem>>
      %dma_wait3A_307 = arith.constant 0 : i32
      %dma_wait3A_308 = tpu.memref_slice %arg5[%add3A_300, %dma_wait3A_307] : memref<200x128xi32, #tpu.memory_space<vmem>> -> memref<1x128xi32, #tpu.memory_space<vmem>>
      %dma_wait3A_309 = tpu.memref_squeeze %dma_wait3A_308 : memref<1x128xi32, #tpu.memory_space<vmem>> -> memref<128xi32, #tpu.memory_space<vmem>>
      %dma_wait3A_310 = arith.constant 0 : i32
      %dma_wait3A_311 = arith.constant 0 : i32
      %dma_wait3A_312 = tpu.memref_slice %arg3[%dma_wait3A_310, %dma_wait3A_311] : memref<1015808x64xf32, #tpu.memory_space<hbm>> -> memref<1015808x64xf32, #tpu.memory_space<hbm>>
      %dma_wait3A_313 = tpu.memref_slice %arg8[%dma_wait3A_302] : memref<4x!tpu.dma_semaphore, #tpu.memory_space<semaphore_mem>> -> memref<1x!tpu.dma_semaphore, #tpu.memory_space<semaphore_mem>>
      %dma_wait3A_314 = tpu.memref_squeeze %dma_wait3A_313 : memref<1x!tpu.dma_semaphore, #tpu.memory_space<semaphore_mem>> -> memref<!tpu.dma_semaphore, #tpu.memory_space<semaphore_mem>>
      tpu.wait_indirect_dma semaphore(%dma_wait3A_314 : memref<!tpu.dma_semaphore, #tpu.memory_space<semaphore_mem>>) src(%dma_wait3A_312 : memref<1015808x64xf32, #tpu.memory_space<hbm>>) dst(%dma_wait3A_306 : memref<128x64xf32, #tpu.memory_space<vmem>>)
      %ge3A_315 = arith.constant 1 : i32
      %ge3A_316 = arith.cmpi sge, %scan3A_149, %ge3A_315 : i32
      %convert_element_type3A_317 = arith.extui %ge3A_316 : i1 to i32
      %cond3A_318 = arith.constant 0 : i32
      %cond3A_319 = arith.cmpi ne, %convert_element_type3A_317, %cond3A_318 : i32
      scf.if %cond3A_319 {
        %sub3A = arith.constant 4 : i32
        %sub3A_348 = arith.subi %add3A_300, %sub3A : i32
        %add3A_349 = arith.addi %mul3A_2, %sub3A_348 : i32
        %mul3A_350 = arith.constant 128 : i32
        %mul3A_351 = arith.muli %add3A_349, %mul3A_350 : i32
        %dma_wait3A_352 = arith.constant 3 : i32
        %dma_wait3A_353 = arith.constant 3 : i32
        %dma_wait3A_354 = arith.constant 0 : i32
        %dma_wait3A_355 = arith.constant 0 : i32
        %dma_wait3A_356 = tpu.memref_slice %arg7[%dma_wait3A_352, %dma_wait3A_354, %dma_wait3A_355] : memref<4x128x128xf32, #tpu.memory_space<vmem>> -> memref<1x128x128xf32, #tpu.memory_space<vmem>>
        %dma_wait3A_357 = tpu.memref_squeeze %dma_wait3A_356 : memref<1x128x128xf32, #tpu.memory_space<vmem>> -> memref<128x128xf32, #tpu.memory_space<vmem>>
        %dma_wait3A_358 = arith.constant 0 : i32
        %dma_wait3A_359 = tpu.memref_slice %arg4[%mul3A_351, %dma_wait3A_358] : memref<819200x128xf32, #tpu.memory_space<hbm>> -> memref<128x128xf32, #tpu.memory_space<hbm>>
        %dma_wait3A_360 = tpu.memref_slice %arg9[%dma_wait3A_353] : memref<4x!tpu.dma_semaphore, #tpu.memory_space<semaphore_mem>> -> memref<1x!tpu.dma_semaphore, #tpu.memory_space<semaphore_mem>>
        %dma_wait3A_361 = tpu.memref_squeeze %dma_wait3A_360 : memref<1x!tpu.dma_semaphore, #tpu.memory_space<semaphore_mem>> -> memref<!tpu.dma_semaphore, #tpu.memory_space<semaphore_mem>>
        %dma_wait3A_362 = arith.constant 0 : i32
        %dma_wait3A_363 = tpu.memref_slice %arg4[%mul3A_351, %dma_wait3A_362] : memref<819200x128xf32, #tpu.memory_space<hbm>> -> memref<128x128xf32, #tpu.memory_space<hbm>>
        %dma_wait3A_364 = arith.constant 0 : i32
        %dma_wait3A_365 = arith.constant 0 : i32
        %dma_wait3A_366 = tpu.memref_slice %arg7[%dma_wait3A_352, %dma_wait3A_364, %dma_wait3A_365] : memref<4x128x128xf32, #tpu.memory_space<vmem>> -> memref<1x128x128xf32, #tpu.memory_space<vmem>>
        %dma_wait3A_367 = tpu.memref_squeeze %dma_wait3A_366 : memref<1x128x128xf32, #tpu.memory_space<vmem>> -> memref<128x128xf32, #tpu.memory_space<vmem>>
        tpu.wait_dma2 semaphore(%dma_wait3A_361 : memref<!tpu.dma_semaphore, #tpu.memory_space<semaphore_mem>>) src(%dma_wait3A_367 : memref<128x128xf32, #tpu.memory_space<vmem>>) dst(%dma_wait3A_363 : memref<128x128xf32, #tpu.memory_space<hbm>>)
      } else {
      }
      %parallel_loop3A_320 = arith.constant 0 : i32
      %parallel_loop3A_321 = arith.constant 128 : i32
      %parallel_loop3A_322 = arith.constant 1 : i32
      scf.for %parallel_loop3A_348 = %parallel_loop3A_320 to %parallel_loop3A_321 step %parallel_loop3A_322  : i32 {
        %parallel_loop3A_349 = arith.constant 3 : i32
        %parallel_loop3A_350 = arith.index_cast %parallel_loop3A_349 : i32 to index
        %parallel_loop3A_351 = arith.index_cast %parallel_loop3A_348 : i32 to index
        %parallel_loop3A_352 = arith.constant 0 : index
        %parallel_loop3A_353 = tpu.vector_load %arg6[%parallel_loop3A_350, %parallel_loop3A_351, %parallel_loop3A_352] {strides = array<i32>} : memref<4x128x64xf32, #tpu.memory_space<vmem>>, vector<16xf32>,
        %parallel_loop3A_354 = arith.constant 3 : i32
        %parallel_loop3A_355 = arith.index_cast %parallel_loop3A_354 : i32 to index
        %parallel_loop3A_356 = arith.index_cast %parallel_loop3A_348 : i32 to index
        %parallel_loop3A_357 = arith.constant 0 : index
        %parallel_loop3A_358 = tpu.vector_load %arg7[%parallel_loop3A_355, %parallel_loop3A_356, %parallel_loop3A_357] {strides = array<i32>} : memref<4x128x128xf32, #tpu.memory_space<vmem>>, vector<16xf32>,
        tpu.vector_store %arg7[%parallel_loop3A_355, %parallel_loop3A_356, %parallel_loop3A_357], %parallel_loop3A_353 {strides = array<i32>} : memref<4x128x128xf32, #tpu.memory_space<vmem>>, vector<16xf32>,
        %parallel_loop3A_359 = arith.constant 3 : i32
        %parallel_loop3A_360 = arith.index_cast %parallel_loop3A_359 : i32 to index
        %parallel_loop3A_361 = arith.index_cast %parallel_loop3A_348 : i32 to index
        %parallel_loop3A_362 = arith.constant 16 : index
        %parallel_loop3A_363 = tpu.vector_load %arg6[%parallel_loop3A_360, %parallel_loop3A_361, %parallel_loop3A_362] {strides = array<i32>} : memref<4x128x64xf32, #tpu.memory_space<vmem>>, vector<16xf32>,
        %parallel_loop3A_364 = arith.constant 3 : i32
        %parallel_loop3A_365 = arith.index_cast %parallel_loop3A_364 : i32 to index
        %parallel_loop3A_366 = arith.index_cast %parallel_loop3A_348 : i32 to index
        %parallel_loop3A_367 = arith.constant 16 : index
        %parallel_loop3A_368 = tpu.vector_load %arg7[%parallel_loop3A_365, %parallel_loop3A_366, %parallel_loop3A_367] {strides = array<i32>} : memref<4x128x128xf32, #tpu.memory_space<vmem>>, vector<16xf32>,
        tpu.vector_store %arg7[%parallel_loop3A_365, %parallel_loop3A_366, %parallel_loop3A_367], %parallel_loop3A_363 {strides = array<i32>} : memref<4x128x128xf32, #tpu.memory_space<vmem>>, vector<16xf32>,
        %parallel_loop3A_369 = arith.constant 3 : i32
        %parallel_loop3A_370 = arith.index_cast %parallel_loop3A_369 : i32 to index
        %parallel_loop3A_371 = arith.index_cast %parallel_loop3A_348 : i32 to index
        %parallel_loop3A_372 = arith.constant 32 : index
        %parallel_loop3A_373 = tpu.vector_load %arg6[%parallel_loop3A_370, %parallel_loop3A_371, %parallel_loop3A_372] {strides = array<i32>} : memref<4x128x64xf32, #tpu.memory_space<vmem>>, vector<16xf32>,
        %parallel_loop3A_374 = arith.constant 3 : i32
        %parallel_loop3A_375 = arith.index_cast %parallel_loop3A_374 : i32 to index
        %parallel_loop3A_376 = arith.index_cast %parallel_loop3A_348 : i32 to index
        %parallel_loop3A_377 = arith.constant 32 : index
        %parallel_loop3A_378 = tpu.vector_load %arg7[%parallel_loop3A_375, %parallel_loop3A_376, %parallel_loop3A_377] {strides = array<i32>} : memref<4x128x128xf32, #tpu.memory_space<vmem>>, vector<16xf32>,
        tpu.vector_store %arg7[%parallel_loop3A_375, %parallel_loop3A_376, %parallel_loop3A_377], %parallel_loop3A_373 {strides = array<i32>} : memref<4x128x128xf32, #tpu.memory_space<vmem>>, vector<16xf32>,
        %parallel_loop3A_379 = arith.constant 3 : i32
        %parallel_loop3A_380 = arith.index_cast %parallel_loop3A_379 : i32 to index
        %parallel_loop3A_381 = arith.index_cast %parallel_loop3A_348 : i32 to index
        %parallel_loop3A_382 = arith.constant 48 : index
        %parallel_loop3A_383 = tpu.vector_load %arg6[%parallel_loop3A_380, %parallel_loop3A_381, %parallel_loop3A_382] {strides = array<i32>} : memref<4x128x64xf32, #tpu.memory_space<vmem>>, vector<16xf32>,
        %parallel_loop3A_384 = arith.constant 3 : i32
        %parallel_loop3A_385 = arith.index_cast %parallel_loop3A_384 : i32 to index
        %parallel_loop3A_386 = arith.index_cast %parallel_loop3A_348 : i32 to index
        %parallel_loop3A_387 = arith.constant 48 : index
        %parallel_loop3A_388 = tpu.vector_load %arg7[%parallel_loop3A_385, %parallel_loop3A_386, %parallel_loop3A_387] {strides = array<i32>} : memref<4x128x128xf32, #tpu.memory_space<vmem>>, vector<16xf32>,
        tpu.vector_store %arg7[%parallel_loop3A_385, %parallel_loop3A_386, %parallel_loop3A_387], %parallel_loop3A_383 {strides = array<i32>} : memref<4x128x128xf32, #tpu.memory_space<vmem>>, vector<16xf32>,
      } {sc.loop_unroll_factor = 4 : i64, sc.parallel_access}
      %add3A_323 = arith.addi %mul3A_2, %add3A_300 : i32
      %mul3A_324 = arith.constant 128 : i32
      %mul3A_325 = arith.muli %add3A_323, %mul3A_324 : i32
      %dma_start3A_326 = arith.constant 3 : i32
      %dma_start3A_327 = arith.constant 3 : i32
      %dma_start3A_328 = arith.constant 0 : i32
      %dma_start3A_329 = arith.constant 0 : i32
      %dma_start3A_330 = tpu.memref_slice %arg7[%dma_start3A_326, %dma_start3A_328, %dma_start3A_329] : memref<4x128x128xf32, #tpu.memory_space<vmem>> -> memref<1x128x128xf32, #tpu.memory_space<vmem>>
      %dma_start3A_331 = tpu.memref_squeeze %dma_start3A_330 : memref<1x128x128xf32, #tpu.memory_space<vmem>> -> memref<128x128xf32, #tpu.memory_space<vmem>>
      %dma_start3A_332 = arith.constant 0 : i32
      %dma_start3A_333 = tpu.memref_slice %arg4[%mul3A_325, %dma_start3A_332] : memref<819200x128xf32, #tpu.memory_space<hbm>> -> memref<128x128xf32, #tpu.memory_space<hbm>>
      %dma_start3A_334 = tpu.memref_slice %arg9[%dma_start3A_327] : memref<4x!tpu.dma_semaphore, #tpu.memory_space<semaphore_mem>> -> memref<1x!tpu.dma_semaphore, #tpu.memory_space<semaphore_mem>>
      %dma_start3A_335 = tpu.memref_squeeze %dma_start3A_334 : memref<1x!tpu.dma_semaphore, #tpu.memory_space<semaphore_mem>> -> memref<!tpu.dma_semaphore, #tpu.memory_space<semaphore_mem>>
      %dma_start3A_336 = arith.constant 0 : i32
      %dma_start3A_337 = tpu.memref_slice %arg4[%mul3A_325, %dma_start3A_336] : memref<819200x128xf32, #tpu.memory_space<hbm>> -> memref<128x128xf32, #tpu.memory_space<hbm>>
      %dma_start3A_338 = arith.constant 0 : i32
      %dma_start3A_339 = arith.constant 0 : i32
      %dma_start3A_340 = tpu.memref_slice %arg7[%dma_start3A_326, %dma_start3A_338, %dma_start3A_339] : memref<4x128x128xf32, #tpu.memory_space<vmem>> -> memref<1x128x128xf32, #tpu.memory_space<vmem>>
      %dma_start3A_341 = tpu.memref_squeeze %dma_start3A_340 : memref<1x128x128xf32, #tpu.memory_space<vmem>> -> memref<128x128xf32, #tpu.memory_space<vmem>>
      tpu.enqueue_dma source(%dma_start3A_341 : memref<128x128xf32, #tpu.memory_space<vmem>>) target(%dma_start3A_337 : memref<128x128xf32, #tpu.memory_space<hbm>>) target_semaphore(%dma_start3A_335 : memref<!tpu.dma_semaphore, #tpu.memory_space<semaphore_mem>>)
      %lt3A_342 = arith.constant 49 : i32
      %lt3A_343 = arith.cmpi slt, %scan3A_149, %lt3A_342 : i32
      %convert_element_type3A_344 = arith.extui %lt3A_343 : i1 to i32
      %cond3A_345 = arith.constant 0 : i32
      %cond3A_346 = arith.cmpi ne, %convert_element_type3A_344, %cond3A_345 : i32
      scf.if %cond3A_346 {
        %add3A_348 = arith.constant 4 : i32
        %add3A_349 = arith.addi %add3A_300, %add3A_348 : i32
        %dma_start3A_350 = arith.constant 3 : i32
        %dma_start3A_351 = arith.constant 3 : i32
        %dma_start3A_352 = arith.constant 0 : i32
        %dma_start3A_353 = arith.constant 0 : i32
        %dma_start3A_354 = tpu.memref_slice %arg6[%dma_start3A_350, %dma_start3A_352, %dma_start3A_353] : memref<4x128x64xf32, #tpu.memory_space<vmem>> -> memref<1x128x64xf32, #tpu.memory_space<vmem>>
        %dma_start3A_355 = tpu.memref_squeeze %dma_start3A_354 : memref<1x128x64xf32, #tpu.memory_space<vmem>> -> memref<128x64xf32, #tpu.memory_space<vmem>>
        %dma_start3A_356 = arith.constant 0 : i32
        %dma_start3A_357 = tpu.memref_slice %arg5[%add3A_349, %dma_start3A_356] : memref<200x128xi32, #tpu.memory_space<vmem>> -> memref<1x128xi32, #tpu.memory_space<vmem>>
        %dma_start3A_358 = tpu.memref_squeeze %dma_start3A_357 : memref<1x128xi32, #tpu.memory_space<vmem>> -> memref<128xi32, #tpu.memory_space<vmem>>
        %dma_start3A_359 = arith.constant 0 : i32
        %dma_start3A_360 = arith.constant 0 : i32
        %dma_start3A_361 = tpu.memref_slice %arg3[%dma_start3A_359, %dma_start3A_360] : memref<1015808x64xf32, #tpu.memory_space<hbm>> -> memref<1015808x64xf32, #tpu.memory_space<hbm>>
        %dma_start3A_362 = tpu.memref_slice %arg8[%dma_start3A_351] : memref<4x!tpu.dma_semaphore, #tpu.memory_space<semaphore_mem>> -> memref<1x!tpu.dma_semaphore, #tpu.memory_space<semaphore_mem>>
        %dma_start3A_363 = tpu.memref_squeeze %dma_start3A_362 : memref<1x!tpu.dma_semaphore, #tpu.memory_space<semaphore_mem>> -> memref<!tpu.dma_semaphore, #tpu.memory_space<semaphore_mem>>
        tpu.enqueue_indirect_dma source(%dma_start3A_361 : memref<1015808x64xf32, #tpu.memory_space<hbm>>) target(%dma_start3A_355 : memref<128x64xf32, #tpu.memory_space<vmem>>) offsets(%dma_start3A_358 : memref<128xi32, #tpu.memory_space<vmem>>) semaphore(%dma_start3A_363 : memref<!tpu.dma_semaphore, #tpu.memory_space<semaphore_mem>>)
      } else {
      }
      %scan3A_347 = arith.constant 0 : i32
      scf.yield %scan3A_347 : i32
    }
    %scan3A_69 = arith.constant 50 : i32
    %add3A_70 = arith.constant 196 : i32
    %add3A_71 = arith.addi %mul3A_2, %add3A_70 : i32
    %mul3A_72 = arith.constant 128 : i32
    %mul3A_73 = arith.muli %add3A_71, %mul3A_72 : i32
    %dma_wait3A = arith.constant 0 : i32
    %dma_wait3A_74 = arith.constant 0 : i32
    %dma_wait3A_75 = arith.constant 0 : i32
    %dma_wait3A_76 = arith.constant 0 : i32
    %dma_wait3A_77 = tpu.memref_slice %arg7[%dma_wait3A, %dma_wait3A_75, %dma_wait3A_76] : memref<4x128x128xf32, #tpu.memory_space<vmem>> -> memref<1x128x128xf32, #tpu.memory_space<vmem>>
    %dma_wait3A_78 = tpu.memref_squeeze %dma_wait3A_77 : memref<1x128x128xf32, #tpu.memory_space<vmem>> -> memref<128x128xf32, #tpu.memory_space<vmem>>
    %dma_wait3A_79 = arith.constant 0 : i32
    %dma_wait3A_80 = tpu.memref_slice %arg4[%mul3A_73, %dma_wait3A_79] : memref<819200x128xf32, #tpu.memory_space<hbm>> -> memref<128x128xf32, #tpu.memory_space<hbm>>
    %dma_wait3A_81 = tpu.memref_slice %arg9[%dma_wait3A_74] : memref<4x!tpu.dma_semaphore, #tpu.memory_space<semaphore_mem>> -> memref<1x!tpu.dma_semaphore, #tpu.memory_space<semaphore_mem>>
    %dma_wait3A_82 = tpu.memref_squeeze %dma_wait3A_81 : memref<1x!tpu.dma_semaphore, #tpu.memory_space<semaphore_mem>> -> memref<!tpu.dma_semaphore, #tpu.memory_space<semaphore_mem>>
    %dma_wait3A_83 = arith.constant 0 : i32
    %dma_wait3A_84 = tpu.memref_slice %arg4[%mul3A_73, %dma_wait3A_83] : memref<819200x128xf32, #tpu.memory_space<hbm>> -> memref<128x128xf32, #tpu.memory_space<hbm>>
    %dma_wait3A_85 = arith.constant 0 : i32
    %dma_wait3A_86 = arith.constant 0 : i32
    %dma_wait3A_87 = tpu.memref_slice %arg7[%dma_wait3A, %dma_wait3A_85, %dma_wait3A_86] : memref<4x128x128xf32, #tpu.memory_space<vmem>> -> memref<1x128x128xf32, #tpu.memory_space<vmem>>
    %dma_wait3A_88 = tpu.memref_squeeze %dma_wait3A_87 : memref<1x128x128xf32, #tpu.memory_space<vmem>> -> memref<128x128xf32, #tpu.memory_space<vmem>>
    tpu.wait_dma2 semaphore(%dma_wait3A_82 : memref<!tpu.dma_semaphore, #tpu.memory_space<semaphore_mem>>) src(%dma_wait3A_88 : memref<128x128xf32, #tpu.memory_space<vmem>>) dst(%dma_wait3A_84 : memref<128x128xf32, #tpu.memory_space<hbm>>)
    %add3A_89 = arith.constant 197 : i32
    %add3A_90 = arith.addi %mul3A_2, %add3A_89 : i32
    %mul3A_91 = arith.constant 128 : i32
    %mul3A_92 = arith.muli %add3A_90, %mul3A_91 : i32
    %dma_wait3A_93 = arith.constant 1 : i32
    %dma_wait3A_94 = arith.constant 1 : i32
    %dma_wait3A_95 = arith.constant 0 : i32
    %dma_wait3A_96 = arith.constant 0 : i32
    %dma_wait3A_97 = tpu.memref_slice %arg7[%dma_wait3A_93, %dma_wait3A_95, %dma_wait3A_96] : memref<4x128x128xf32, #tpu.memory_space<vmem>> -> memref<1x128x128xf32, #tpu.memory_space<vmem>>
    %dma_wait3A_98 = tpu.memref_squeeze %dma_wait3A_97 : memref<1x128x128xf32, #tpu.memory_space<vmem>> -> memref<128x128xf32, #tpu.memory_space<vmem>>
    %dma_wait3A_99 = arith.constant 0 : i32
    %dma_wait3A_100 = tpu.memref_slice %arg4[%mul3A_92, %dma_wait3A_99] : memref<819200x128xf32, #tpu.memory_space<hbm>> -> memref<128x128xf32, #tpu.memory_space<hbm>>
    %dma_wait3A_101 = tpu.memref_slice %arg9[%dma_wait3A_94] : memref<4x!tpu.dma_semaphore, #tpu.memory_space<semaphore_mem>> -> memref<1x!tpu.dma_semaphore, #tpu.memory_space<semaphore_mem>>
    %dma_wait3A_102 = tpu.memref_squeeze %dma_wait3A_101 : memref<1x!tpu.dma_semaphore, #tpu.memory_space<semaphore_mem>> -> memref<!tpu.dma_semaphore, #tpu.memory_space<semaphore_mem>>
    %dma_wait3A_103 = arith.constant 0 : i32
    %dma_wait3A_104 = tpu.memref_slice %arg4[%mul3A_92, %dma_wait3A_103] : memref<819200x128xf32, #tpu.memory_space<hbm>> -> memref<128x128xf32, #tpu.memory_space<hbm>>
    %dma_wait3A_105 = arith.constant 0 : i32
    %dma_wait3A_106 = arith.constant 0 : i32
    %dma_wait3A_107 = tpu.memref_slice %arg7[%dma_wait3A_93, %dma_wait3A_105, %dma_wait3A_106] : memref<4x128x128xf32, #tpu.memory_space<vmem>> -> memref<1x128x128xf32, #tpu.memory_space<vmem>>
    %dma_wait3A_108 = tpu.memref_squeeze %dma_wait3A_107 : memref<1x128x128xf32, #tpu.memory_space<vmem>> -> memref<128x128xf32, #tpu.memory_space<vmem>>
    tpu.wait_dma2 semaphore(%dma_wait3A_102 : memref<!tpu.dma_semaphore, #tpu.memory_space<semaphore_mem>>) src(%dma_wait3A_108 : memref<128x128xf32, #tpu.memory_space<vmem>>) dst(%dma_wait3A_104 : memref<128x128xf32, #tpu.memory_space<hbm>>)
    %add3A_109 = arith.constant 198 : i32
    %add3A_110 = arith.addi %mul3A_2, %add3A_109 : i32
    %mul3A_111 = arith.constant 128 : i32
    %mul3A_112 = arith.muli %add3A_110, %mul3A_111 : i32
    %dma_wait3A_113 = arith.constant 2 : i32
    %dma_wait3A_114 = arith.constant 2 : i32
    %dma_wait3A_115 = arith.constant 0 : i32
    %dma_wait3A_116 = arith.constant 0 : i32
    %dma_wait3A_117 = tpu.memref_slice %arg7[%dma_wait3A_113, %dma_wait3A_115, %dma_wait3A_116] : memref<4x128x128xf32, #tpu.memory_space<vmem>> -> memref<1x128x128xf32, #tpu.memory_space<vmem>>
    %dma_wait3A_118 = tpu.memref_squeeze %dma_wait3A_117 : memref<1x128x128xf32, #tpu.memory_space<vmem>> -> memref<128x128xf32, #tpu.memory_space<vmem>>
    %dma_wait3A_119 = arith.constant 0 : i32
    %dma_wait3A_120 = tpu.memref_slice %arg4[%mul3A_112, %dma_wait3A_119] : memref<819200x128xf32, #tpu.memory_space<hbm>> -> memref<128x128xf32, #tpu.memory_space<hbm>>
    %dma_wait3A_121 = tpu.memref_slice %arg9[%dma_wait3A_114] : memref<4x!tpu.dma_semaphore, #tpu.memory_space<semaphore_mem>> -> memref<1x!tpu.dma_semaphore, #tpu.memory_space<semaphore_mem>>
    %dma_wait3A_122 = tpu.memref_squeeze %dma_wait3A_121 : memref<1x!tpu.dma_semaphore, #tpu.memory_space<semaphore_mem>> -> memref<!tpu.dma_semaphore, #tpu.memory_space<semaphore_mem>>
    %dma_wait3A_123 = arith.constant 0 : i32
    %dma_wait3A_124 = tpu.memref_slice %arg4[%mul3A_112, %dma_wait3A_123] : memref<819200x128xf32, #tpu.memory_space<hbm>> -> memref<128x128xf32, #tpu.memory_space<hbm>>
    %dma_wait3A_125 = arith.constant 0 : i32
    %dma_wait3A_126 = arith.constant 0 : i32
    %dma_wait3A_127 = tpu.memref_slice %arg7[%dma_wait3A_113, %dma_wait3A_125, %dma_wait3A_126] : memref<4x128x128xf32, #tpu.memory_space<vmem>> -> memref<1x128x128xf32, #tpu.memory_space<vmem>>
    %dma_wait3A_128 = tpu.memref_squeeze %dma_wait3A_127 : memref<1x128x128xf32, #tpu.memory_space<vmem>> -> memref<128x128xf32, #tpu.memory_space<vmem>>
    tpu.wait_dma2 semaphore(%dma_wait3A_122 : memref<!tpu.dma_semaphore, #tpu.memory_space<semaphore_mem>>) src(%dma_wait3A_128 : memref<128x128xf32, #tpu.memory_space<vmem>>) dst(%dma_wait3A_124 : memref<128x128xf32, #tpu.memory_space<hbm>>)
    %add3A_129 = arith.constant 199 : i32
    %add3A_130 = arith.addi %mul3A_2, %add3A_129 : i32
    %mul3A_131 = arith.constant 128 : i32
    %mul3A_132 = arith.muli %add3A_130, %mul3A_131 : i32
    %dma_wait3A_133 = arith.constant 3 : i32
    %dma_wait3A_134 = arith.constant 3 : i32
    %dma_wait3A_135 = arith.constant 0 : i32
    %dma_wait3A_136 = arith.constant 0 : i32
    %dma_wait3A_137 = tpu.memref_slice %arg7[%dma_wait3A_133, %dma_wait3A_135, %dma_wait3A_136] : memref<4x128x128xf32, #tpu.memory_space<vmem>> -> memref<1x128x128xf32, #tpu.memory_space<vmem>>
    %dma_wait3A_138 = tpu.memref_squeeze %dma_wait3A_137 : memref<1x128x128xf32, #tpu.memory_space<vmem>> -> memref<128x128xf32, #tpu.memory_space<vmem>>
    %dma_wait3A_139 = arith.constant 0 : i32
    %dma_wait3A_140 = tpu.memref_slice %arg4[%mul3A_132, %dma_wait3A_139] : memref<819200x128xf32, #tpu.memory_space<hbm>> -> memref<128x128xf32, #tpu.memory_space<hbm>>
    %dma_wait3A_141 = tpu.memref_slice %arg9[%dma_wait3A_134] : memref<4x!tpu.dma_semaphore, #tpu.memory_space<semaphore_mem>> -> memref<1x!tpu.dma_semaphore, #tpu.memory_space<semaphore_mem>>
    %dma_wait3A_142 = tpu.memref_squeeze %dma_wait3A_141 : memref<1x!tpu.dma_semaphore, #tpu.memory_space<semaphore_mem>> -> memref<!tpu.dma_semaphore, #tpu.memory_space<semaphore_mem>>
    %dma_wait3A_143 = arith.constant 0 : i32
    %dma_wait3A_144 = tpu.memref_slice %arg4[%mul3A_132, %dma_wait3A_143] : memref<819200x128xf32, #tpu.memory_space<hbm>> -> memref<128x128xf32, #tpu.memory_space<hbm>>
    %dma_wait3A_145 = arith.constant 0 : i32
    %dma_wait3A_146 = arith.constant 0 : i32
    %dma_wait3A_147 = tpu.memref_slice %arg7[%dma_wait3A_133, %dma_wait3A_145, %dma_wait3A_146] : memref<4x128x128xf32, #tpu.memory_space<vmem>> -> memref<1x128x128xf32, #tpu.memory_space<vmem>>
    %dma_wait3A_148 = tpu.memref_squeeze %dma_wait3A_147 : memref<1x128x128xf32, #tpu.memory_space<vmem>> -> memref<128x128xf32, #tpu.memory_space<vmem>>
    tpu.wait_dma2 semaphore(%dma_wait3A_142 : memref<!tpu.dma_semaphore, #tpu.memory_space<semaphore_mem>>) src(%dma_wait3A_148 : memref<128x128xf32, #tpu.memory_space<vmem>>) dst(%dma_wait3A_144 : memref<128x128xf32, #tpu.memory_space<hbm>>)
    return
  }
}

module attributes {stable_mosaic.version = 14 : i64} {
  func.func @body(%arg0: i32, %arg1: memref<64x16384xf32, #tpu.memory_space<vmem>>, %arg2: memref<64x576xf32, #tpu.memory_space<vmem>>, %arg3: memref<8192x128xf32, #tpu.memory_space<vmem>>) attributes {dimension_semantics = [#tpu.dimension_semantics<arbitrary>], iteration_bounds = array<i64: 62>, scalar_prefetch = 0 : i64, scratch_operands = 0 : i64, tpu.core_type = #tpu.core_type<tc>, window_params = [{transform_indices = @transform_0, window_bounds = array<i64: 64, 16384>}, {pipeline_mode = #tpu.pipeline_mode<synchronous>, transform_indices = @transform_1, window_bounds = array<i64: 64, 576>}, {transform_indices = @transform_2, window_bounds = array<i64: 8192, 128>}]} {
    %get3A = arith.constant 0 : index
    %get3A_0 = arith.constant 0 : index
    %get3A_1 = vector.load %arg1[%get3A, %get3A_0] : memref<64x16384xf32, #tpu.memory_space<vmem>>, vector<64x16384xf32>
    %slice3A = vector.extract_strided_slice %get3A_1 {offsets = [0, 0], sizes = [64, 8192], strides = [1, 1]} : vector<64x16384xf32> to vector<64x8192xf32>
    %iota3A = tpu.iota {dimensions = array<i32: 0>} : vector<64x64xi32>
    %iota3A_2 = tpu.iota {dimensions = array<i32: 1>} : vector<64x64xi32>
    %add3A = arith.constant 0 : i32
    %add3A_3 = vector.broadcast %add3A : i32 to vector<64x64xi32>
    %add3A_4 = arith.addi %iota3A, %add3A_3 : vector<64x64xi32>
    %eq3A = arith.cmpi eq, %add3A_4, %iota3A_2 : vector<64x64xi32>
    %convert_element_type3A = arith.extui %eq3A : vector<64x64xi1> to vector<64x64xi32>
    %convert_element_type3A_5 = arith.sitofp %convert_element_type3A : vector<64x64xi32> to vector<64x64xf32>
    %convert_element_type3A_6 = arith.truncf %convert_element_type3A_5 : vector<64x64xf32> to vector<64x64xbf16>
    %mul3A = arith.constant 8.000000e+00 : bf16
    %mul3A_7 = vector.broadcast %mul3A : bf16 to vector<64x64xbf16>
    %mul3A_8 = arith.mulf %convert_element_type3A_6, %mul3A_7 : vector<64x64xbf16>
    %convert_element_type3A_9 = arith.truncf %slice3A : vector<64x8192xf32> to vector<64x8192xbf16>
    %dot_general3A = arith.constant dense<0.000000e+00> : vector<8192x64xf32>
    %dot_general3A_10 = tpu.matmul %convert_element_type3A_9, %mul3A_8, %dot_general3A {dimension_numbers = #tpu.dot_dimension_numbers<[0], [0], [1], [1], [0, 1, 1, 1], [], []>, transpose_lhs_hint = false} : vector<64x8192xbf16>, vector<64x64xbf16>, vector<8192x64xf32> -> vector<8192x64xf32>
    %slice3A_11 = vector.extract_strided_slice %get3A_1 {offsets = [0, 8192], sizes = [64, 8192], strides = [1, 1]} : vector<64x16384xf32> to vector<64x8192xf32>
    %iota3A_12 = tpu.iota {dimensions = array<i32: 0>} : vector<64x64xi32>
    %iota3A_13 = tpu.iota {dimensions = array<i32: 1>} : vector<64x64xi32>
    %add3A_14 = arith.constant 0 : i32
    %add3A_15 = vector.broadcast %add3A_14 : i32 to vector<64x64xi32>
    %add3A_16 = arith.addi %iota3A_12, %add3A_15 : vector<64x64xi32>
    %eq3A_17 = arith.cmpi eq, %add3A_16, %iota3A_13 : vector<64x64xi32>
    %convert_element_type3A_18 = arith.extui %eq3A_17 : vector<64x64xi1> to vector<64x64xi32>
    %convert_element_type3A_19 = arith.sitofp %convert_element_type3A_18 : vector<64x64xi32> to vector<64x64xf32>
    %convert_element_type3A_20 = arith.truncf %convert_element_type3A_19 : vector<64x64xf32> to vector<64x64xbf16>
    %mul3A_21 = arith.constant 8.000000e+00 : bf16
    %mul3A_22 = vector.broadcast %mul3A_21 : bf16 to vector<64x64xbf16>
    %mul3A_23 = arith.mulf %convert_element_type3A_20, %mul3A_22 : vector<64x64xbf16>
    %convert_element_type3A_24 = arith.truncf %slice3A_11 : vector<64x8192xf32> to vector<64x8192xbf16>
    %dot_general3A_25 = arith.constant dense<0.000000e+00> : vector<8192x64xf32>
    %dot_general3A_26 = tpu.matmul %convert_element_type3A_24, %mul3A_23, %dot_general3A_25 {dimension_numbers = #tpu.dot_dimension_numbers<[0], [0], [1], [1], [0, 1, 1, 1], [], []>, transpose_lhs_hint = false} : vector<64x8192xbf16>, vector<64x64xbf16>, vector<8192x64xf32> -> vector<8192x64xf32>
    %concatenate3A = tpu.concatenate %dot_general3A_10, %dot_general3A_26 in 1 : vector<8192x64xf32>, vector<8192x64xf32> -> vector<8192x128xf32>
    %swap3A = arith.constant 0 : index
    %swap3A_27 = arith.constant 0 : index
    %swap3A_28 = vector.load %arg3[%swap3A, %swap3A_27] : memref<8192x128xf32, #tpu.memory_space<vmem>>, vector<8192x128xf32>
    tpu.vector_store %arg3[%swap3A, %swap3A_27], %concatenate3A {strides = array<i32>} : memref<8192x128xf32, #tpu.memory_space<vmem>>, vector<8192x128xf32>,
    %eq3A_29 = arith.constant 61 : i32
    %eq3A_30 = arith.cmpi eq, %arg0, %eq3A_29 : i32
    %convert_element_type3A_31 = arith.extui %eq3A_30 : i1 to i32
    %cond3A = arith.constant 0 : i32
    %cond3A_32 = arith.cmpi ne, %convert_element_type3A_31, %cond3A : i32
    scf.if %cond3A_32 {
      %get3A_33 = arith.constant 0 : index
      %get3A_34 = arith.constant 0 : index
      %get3A_35 = vector.load %arg2[%get3A_33, %get3A_34] : memref<64x576xf32, #tpu.memory_space<vmem>>, vector<64x576xf32>
      %iota3A_36 = tpu.iota {dimensions = array<i32: 0>} : vector<64x64xi32>
      %iota3A_37 = tpu.iota {dimensions = array<i32: 1>} : vector<64x64xi32>
      %add3A_38 = arith.constant 0 : i32
      %add3A_39 = vector.broadcast %add3A_38 : i32 to vector<64x64xi32>
      %add3A_40 = arith.addi %iota3A_36, %add3A_39 : vector<64x64xi32>
      %eq3A_41 = arith.cmpi eq, %add3A_40, %iota3A_37 : vector<64x64xi32>
      %convert_element_type3A_42 = arith.extui %eq3A_41 : vector<64x64xi1> to vector<64x64xi32>
      %convert_element_type3A_43 = arith.sitofp %convert_element_type3A_42 : vector<64x64xi32> to vector<64x64xf32>
      %convert_element_type3A_44 = arith.truncf %convert_element_type3A_43 : vector<64x64xf32> to vector<64x64xbf16>
      %mul3A_45 = arith.constant 8.000000e+00 : bf16
      %mul3A_46 = vector.broadcast %mul3A_45 : bf16 to vector<64x64xbf16>
      %mul3A_47 = arith.mulf %convert_element_type3A_44, %mul3A_46 : vector<64x64xbf16>
      %convert_element_type3A_48 = arith.truncf %get3A_35 : vector<64x576xf32> to vector<64x576xbf16>
      %dot_general3A_49 = arith.constant dense<0.000000e+00> : vector<576x64xf32>
      %dot_general3A_50 = tpu.matmul %convert_element_type3A_48, %mul3A_47, %dot_general3A_49 {dimension_numbers = #tpu.dot_dimension_numbers<[0], [0], [1], [1], [0, 1, 1, 1], [], []>, transpose_lhs_hint = false} : vector<64x576xbf16>, vector<64x64xbf16>, vector<576x64xf32> -> vector<576x64xf32>
      %concatenate3A_51 = tpu.concatenate %dot_general3A_50, %dot_general3A_50 in 1 : vector<576x64xf32>, vector<576x64xf32> -> vector<576x128xf32>
      %swap3A_52 = arith.constant 0 : index
      %swap3A_53 = arith.constant 0 : index
      %swap3A_54 = vector.load %arg3[%swap3A_52, %swap3A_53] : memref<8192x128xf32, #tpu.memory_space<vmem>>, vector<576x128xf32>
      tpu.vector_store %arg3[%swap3A_52, %swap3A_53], %concatenate3A_51 {strides = array<i32>} : memref<8192x128xf32, #tpu.memory_space<vmem>>, vector<576x128xf32>,
    } else {
    }
    return
  }
  func.func @transform_0(%arg0: i32) -> (i32, i32) {
    %c0_i32 = arith.constant 0 : i32
    %c0_i32_0 = arith.constant 0 : i32
    return %c0_i32, %arg0 : i32, i32
  }
  func.func @transform_1(%arg0: i32) -> (i32, i32) {
    %c0_i32 = arith.constant 0 : i32
    %c0_i32_0 = arith.constant 0 : i32
    %c0_i32_1 = arith.constant 0 : i32
    return %c0_i32, %c0_i32_0 : i32, i32
  }
  func.func @transform_2(%arg0: i32) -> (i32, i32) {
    %c0_i32 = arith.constant 0 : i32
    %c0_i32_0 = arith.constant 0 : i32
    return %arg0, %c0_i32 : i32, i32
  }
}

</mosaic_0001>

<sc_bundles>
// kernel: kernel.4.cloned.1.call-start
scs
__scs_entry_jumppad:
0x0: {  	(pc) =	sbr.rel $0x88, $3  }
0x1: {  	(tag) =	ssettag $0x0;
	lr =	simm.s32 $0x1  }
0x2: {  	[smem:$0x3F9F] =	sst lr;
	_ =	strace $0xD0000000  }
0x3: {  	_ = 	snop  }
0x4: {  	_ = 	snop  }
0x5: {  	_ = 	snop  }
0x6: {  	_ = 	snop  }
0x7: {  	_ = 	snop  }
__scs_overlays_trampoline_lowered:
0x8: {  	[smem:$0x3FAE] =	sst s0  }
0x9: {  	[smem:$0x3FAF] =	sst s1  }
0xa: {  	[smem:$0x3FB0] =	sst s2  }
0xb: {  	[smem:$0x3FB1] =	sst s3  }
0xc: {  	[smem:$0x3FB2] =	sst s4  }
0xd: {  	[smem:$0x3FB3] =	sst s5  }
0xe: {  	[smem:$0x3FB4] =	sst s6  }
0xf: {  	[smem:$0x3FB5] =	sst s7  }
0x10: {  	[smem:$0x3FB6] =	sst s8  }
0x11: {  	[smem:$0x3FB7] =	sst s9;
	s0 =	simm.s32 @!p0 $0x0  }
0x12: {  	s1 =	sld [smem:$0x3F9D];
	s0 =	simm.s32 @p0 $0x1  }
0x13: {  	[smem:$0x3FB8] =	sst s0;
	s0 =	simm.s32 @!p1 $0x0  }
0x14: {  	s2 =	sld [smem:$0x3F9C];
	s0 =	simm.s32 @p1 $0x1  }
0x15: {  	[smem:$0x3FB9] =	sst s0;
	s0 =	simm.s32 @!p2 $0x0  }
0x16: {  	s3 =	sld [smem:$0x3FDB];
	s0 =	simm.s32 @p2 $0x1  }
0x17: {  	s4 =	simm.s32 $0x1BF5;
	[smem:$0x3FBB] =	sst s0  }
0x18: {  	s0 =	sld [smem:$0x3F9E];
	_ =	swait.ge [sflag:s4], $0x0  }
0x19: {  	s7 =	sld [smem:$0x3F9F]  }
0x1a: {  	s8 =	sadd.s32 $0xFFFFE003, lr  }
0x1b: {  	s9 =	sadd.s32 $0xFFFFFEF7, lr;
	s5 =	simm.s32 $0xFFFFFFFF;
	p2 =	slt.u32 s8, $0xFFFFF086  }
0x1c: {  	p1 =	slt.u32 s9, $0xF7A;
	s5 =	simm.s32 @!p2 $0x0  }
0x1d: {  	s5 =	simm.s32 @p1 $0x1;
	p0 =	seq.s32 s7, s2  }
0x1e: {  	s7 =	smul.u32 @!p0 $0xF7A, s2;
	p2 =	seq.s32 @!p0 s5, $0x0  }
0x1f: {  	s9 =	smul.u32 $0xF7A, s1;
	s8 =	simm.s32 @!p0 $0x1BF5;
	p2 =	por !p2, p0  }
0x20: {  	[sflag:s8] =	ssyncset.s32 @!p0 $0xFFFFF086;
	s6 =	sadd.s32 @!p0 s3, s7;
	s7 =	simm.s32 @!p0 $0x108  }
0x21: {  	s3 =	sadd.s32 s3, s9;
	s6 =	sadd.s32 @!p0 $0x88, s6;
	s7 =	simm.s32 @p2 $0x1082  }
0x22: {  	[simem:s7], [sflag:s8] =	dma.local @!p0 [hbm:s6], $0xF7A  }
0x23: {  	s9 =	sor.u32 $0xD0000000, s2;
	s6 =	simm.s32 $0x108;
	_ =	swait.ge @!p0 [sflag:s8], $0x0  }
0x24: {  	s3 =	sadd.s32 $0x88, s3;
	s6 =	simm.s32 @!p1 $0x1082;
	[sflag:s4] =	ssyncset.s32 $0xFFFFF086  }
0x25: {  	[simem:s6], [sflag:s4] =	dma.local [hbm:s3], $0xF7A  }
0x26: {  	[smem:$0x3F9F] =	sst s1;
	(tag) =	ssettag s2;
	_ =	strace s9  }
0x27: {  	s1 =	sld [smem:$0x3FAF]  }
0x28: {  	s2 =	sld [smem:$0x3FB0]  }
0x29: {  	s4 =	sld [smem:$0x3FB2]  }
0x2a: {  	p0 =	seq.s32 s5, $0x0;
	s5 =	sld [smem:$0x3FB3]  }
0x2b: {  	s6 =	sld [smem:$0x3FB4]  }
0x2c: {  	s7 =	sld [smem:$0x3FB5]  }
0x2d: {  	s3 =	simm.s32 $0x108;
	s8 =	sld [smem:$0x3FB6]  }
0x2e: {  	s3 =	simm.s32 @!p0 $0x1082;
	s9 =	sld [smem:$0x3FB7]  }
0x2f: {  	lr =	sadd.s32 s0, s3;
	s0 =	sld [smem:$0x3FAE]  }
0x30: {  	s3 =	sld [smem:$0x3FB1]  }
0x31: {  	[smem:$0x3FBA] =	sst s10  }
0x32: {  	s10 =	sld [smem:$0x3FB8];
	_ =	sdelay $0x3  }
0x33: {  	p0 =	seq.s32 s10, $0x1;
	s10 =	sld [smem:$0x3FBA];
	_ =	sdelay $0x3  }
0x34: {  	[smem:$0x3FBA] =	sst s10  }
0x35: {  	s10 =	sld [smem:$0x3FB9];
	_ =	sdelay $0x3  }
0x36: {  	p1 =	seq.s32 s10, $0x1;
	s10 =	sld [smem:$0x3FBA];
	_ =	sdelay $0x3  }
0x37: {  	[smem:$0x3FBA] =	sst s10  }
0x38: {  	s10 =	sld [smem:$0x3FBB]  }
0x39: {  	_ = 	snop;
	(pc) =	sbr.ind lr, $3  }
0x3a: {  	_ = 	snop  }
0x3b: {  	_ = 	snop  }
0x3c: {  	p2 =	seq.s32 s10, $0x1;
	s10 =	sld [smem:$0x3FBA]  }
0x3d: {  	_ =	shalt  }
0x3e: {  	_ =	shalt  }
0x3f: {  	_ =	shalt  }
0x40: {  	_ =	shalt  }
0x41: {  	_ =	shalt  }
0x42: {  	_ =	shalt  }
0x43: {  	_ =	shalt  }
0x44: {  	_ =	shalt  }
0x45: {  	_ =	shalt  }
0x46: {  	_ =	shalt  }
0x47: {  	_ =	shalt  }
0x48: {  	_ =	shalt  }
0x49: {  	_ =	shalt  }
0x4a: {  	_ =	shalt  }
0x4b: {  	_ =	shalt  }
0x4c: {  	_ =	shalt  }
0x4d: {  	_ =	shalt  }
0x4e: {  	_ =	shalt  }
0x4f: {  	_ =	shalt  }
0x50: {  	_ =	shalt  }
0x51: {  	_ =	shalt  }
0x52: {  	_ =	shalt  }
0x53: {  	_ =	shalt  }
0x54: {  	_ =	shalt  }
0x55: {  	_ =	shalt  }
0x56: {  	_ =	shalt  }
0x57: {  	_ =	shalt  }
0x58: {  	_ =	shalt  }
0x59: {  	_ =	shalt  }
0x5a: {  	_ =	shalt  }
0x5b: {  	_ =	shalt  }
0x5c: {  	_ =	shalt  }
0x5d: {  	_ =	shalt  }
0x5e: {  	_ =	shalt  }
0x5f: {  	_ =	shalt  }
0x60: {  	_ =	shalt  }
0x61: {  	_ =	shalt  }
0x62: {  	_ =	shalt  }
0x63: {  	_ =	shalt  }
0x64: {  	_ =	shalt  }
0x65: {  	_ =	shalt  }
0x66: {  	_ =	shalt  }
0x67: {  	_ =	shalt  }
0x68: {  	_ =	shalt  }
0x69: {  	_ =	shalt  }
0x6a: {  	_ =	shalt  }
0x6b: {  	_ =	shalt  }
0x6c: {  	_ =	shalt  }
0x6d: {  	_ =	shalt  }
0x6e: {  	_ =	shalt  }
0x6f: {  	_ =	shalt  }
0x70: {  	_ =	shalt  }
0x71: {  	_ =	shalt  }
0x72: {  	_ =	shalt  }
0x73: {  	_ =	shalt  }
0x74: {  	_ =	shalt  }
0x75: {  	_ =	shalt  }
0x76: {  	_ =	shalt  }
0x77: {  	_ =	shalt  }
0x78: {  	_ =	shalt  }
0x79: {  	_ =	shalt  }
0x7a: {  	_ =	shalt  }
0x7b: {  	_ =	shalt  }
0x7c: {  	_ =	shalt  }
0x7d: {  	_ =	shalt  }
0x7e: {  	_ =	shalt  }
0x7f: {  	_ =	shalt  }
0x80: {  	_ =	shalt  }
0x81: {  	_ =	shalt  }
0x82: {  	_ =	shalt  }
0x83: {  	_ =	shalt  }
0x84: {  	_ =	shalt  }
0x85: {  	_ =	shalt  }
0x86: {  	_ =	shalt  }
0x87: {  	_ =	shalt  }
.Lfunc_end0:
.L_simem_size_0:
called_computation.1_lowered:
.L_overlay_start_0:
0x88: {  	s2 =	sld [smem:$0x3FD9]  }
0x89: {  	s3 =	sld [smem:$0x3FFE];
	_ =	sdelay $0x1  }
0x8a: {  	s1 =	srdreg.scid  }
0x8b: {  	s0 =	sand.u32 $0x1, s1  }
0x8c: {  	s17 =	sshll.u32 s0, $0xA;
	s2 =	sadd.s32 s3, s2  }
0x8d: {  	s2 =	sadd.s32 s2, s17  }
0x8e: {  	[smem:$0x3FC6] =	sst s2  }
0x8f: {  	_ = 	snop  }
0x90: {  	s2 =	sld [smem:$0x3FD0];
	(tm) =	ssettm $0x1  }
0x91: {  	s18 =	sld [smem:$0x3FFB];
	_ =	sdelay $0x3  }
0x92: {  	_ =	strace s18  }
0x93: {  	s3 =	sld [smem:$0x3FFC];
	_ =	sdelay $0x3  }
0x94: {  	_ =	strace s3  }
0x95: {  	s3 =	sld [smem:$0x3FFD];
	_ =	sdelay $0x3  }
0x96: {  	_ =	strace s3  }
0x97: {  	_ =	strace $0x8FFFFFFF  }
0x98: {  	s19 =	sld [smem:$0x3FDB];
	_ =	sdelay $0x1  }
0x99: {  	s4 =	simm.s32 $_scs_section_size  }
0x9a: {  	s5 =	simm.s32 $_size__tile_overlayer_lowered;
	s6 =	simm.s32 $_tile_overlayer_lowered  }
0x9b: {  	s22 =	simm.s32 $0x1BFF;
	s21 =	sshll.u32 s6, $0x1;
	s3 =	sadd.s32 s4, s19  }
0x9c: {  	s7 =	simm.s32 $0x0;
	s20 =	sshll.u32 s5, $0x1;
	s5 =	sadd.s32 s21, s3  }
0x9d: {  	[timem:s7], [sflag:s22] =	dma.local [hbm:s5], s20  }
0x9e: {  	_ =	swait.ge [sflag:s22], s20  }
0x9f: {  	s4 =	ssub.s32 $0x0, s20;
	[sflag:s22] =	ssyncset.done $0x0  }
0xa0: {  	[sflag:s22] =	ssyncadd.s32 s4;
	_ =	sdelay $0x1  }
0xa1: {  	s23 =	simm.s32 $0x1B8B  }
0xa2: {  	_ =	swait.ge [sflag:s23], $0x1  }
0xa3: {  	[sflag:s23] =	ssyncset.done $0x0  }
0xa4: {  	s25 =	simm.s32 $0x1B8E;
	s24 =	sld [smem:$0x3FFE];
	[sflag:s23] =	ssyncadd.s32 $0xFFFFFFFF  }
0xa5: {  	s26 =	simm.s32 $execute0_lowered;
	[smem:$0x3FD2] =	sst s25  }
0xa6: {  	s5 =	sshll.u32 s26, $0x1;
	_ =	strace $0x80000046;
	[dreg:$0x1] =	wrdreg $0xFFFFFFFF  }
0xa7: {  	s28 =	simm.s32 $_size_execute0_lowered;
	s3 =	sadd.s32 s3, s5;
	[dreg:$0x0] =	wrdreg $0x0  }
0xa8: {  	s5 =	sshll.u32 s28, $0x1;
	[dreg:$0x2] =	wrdreg s3  }
0xa9: {  	[dreg:$0x3] =	wrdreg s5  }
0xaa: {  	[dreg:$0x4] =	wrdreg $0xC0  }
0xab: {  	_ =	task [dreg:s7], $0x5FFFF  }
0xac: {  	[dreg:$0x1] =	wrdreg $0xFFFFFFFF  }
0xad: {  	[dreg:$0x0] =	wrdreg $0x60  }
0xae: {  	[dreg:$0x2] =	wrdreg s2  }
0xaf: {  	[dreg:$0x3] =	wrdreg s24  }
0xb0: {  	[dreg:$0x4] =	wrdreg $0x9  }
0xb1: {  	_ =	task.clear_ibuf [dreg:s7], $0x5FFFF;
	_ =	strace $0x90000046  }
0xb2: {  	s29 =	simm.s32 $0x9;
	_ =	strace $0x80000048  }
0xb3: {  	_ =	swait.ge [sflag:s29], $0x1  }
0xb4: {  	[sflag:s29] =	ssyncadd.s32 $0xFFFFFFFF  }
0xb5: {  	_ =	strace $0x90000048  }
0xb6: {  	_ =	sfence  }
0xb7: {  	s30 =	sld [smem:$0x0];
	_ =	sdelay $0x2  }
0xb8: {  	s31 =	sshll.u32 s1, $0xD;
	s1 =	sshrl.u32 s1, $0x2  }
0xb9: {  	s3 =	sand.u32 $0x4000, s31;
	s1 =	sadd.s32 s1, s30  }
0xba: {  	s0 =	sor.u32 s3, s0;
	s1 =	sshll.u32 s1, $0x11  }
0xbb: {  	s0 =	sor.u32 s1, s0  }
0xbc: {  	s0 =	sadd.s32 $0x8F2B, s0  }
0xbd: {  	[sflag:s0] =	ssyncadd.remote.s32 $0x1  }
0xbe: {  	_ =	sfence.sel $0xFFFF  }
0xbf: {  	[dreg:$0x0] =	wrdreg $0xFFFFFFFF;
	(pc) =	sbr.abs _section_cstart, $3  }
0xc0: {  	[dreg:$0x1] =	wrdreg $0xFFFFFFFF  }
0xc1: {  	_ =	task.clear_ibuf [dreg:s7], $0x2FFFF;
	_ =	strace $0x9FFFFFFF  }
0xc2: {  	(tm) =	ssettm $0x7FFFFFFF  }
0xc3: {  	_ =	shalt  }
tec
execute0_lowered:
.L_overlay_start_1:
0x0: {  	(tag) =	ssettag $0x1  }
0x1: {  	s0 =	rddreg [dreg:$0x0]  }
0x2: {  	s1 =	srdreg.scid;
	s2 =	stileid.u32  }
0x3: {  	s5 =	rddreg [dreg:$0x1];
	s12 =	simm.s32 $0x80;
	s13 =	simm.s32 $0x6400  }
0x4: {  	s14 =	simm.s32 $0x8400;
	s16 =	simm.s32 $0xA400;
	s18 =	simm.s32 $0xC400  }
0x5: {  	s19 =	simm.s32 $0x1;
	s20 =	simm.s32 $0xE400;
	s21 =	simm.s32 $0x2  }
0x6: {  	s22 =	simm.s32 $0x6;
	s23 =	simm.s32 $0x12400;
	s24 =	simm.s32 $0x3  }
0x7: {  	s25 =	simm.s32 $0x7;
	s1 =	sand.u32 $0x1, s1;
	s3 =	sshll.u32 s2, $0x1  }
0x8: {  	s26 =	simm.s32 $0x16400;
	s28 =	simm.s32 $0x4;
	s4 =	sor.u32 s1, s3  }
0x9: {  	s29 =	simm.s32 $0x8;
	s2 =	simm.s32 $0x0;
	s3 =	smul.u32 $0xC8, s4  }
0xa: {  	s30 =	simm.s32 $0x1A400;
	[smem:$0x7FF] =	sst s2;
	s6 =	smul.u32 $0xC80, s4  }
.Ltmp0:
0xb: {  	s1 =	ssub.s32 $0x2, s1;
	_ =	strace $0x80000047;
	(pc) =	sbr.rel .LBB2_1-.Ltmp0, $4  }
0xc: {  	s4 =	sadd.s32 $0x800, s5;
	s5 =	sadd.s32 $0x7C0800, s5;
	s7 =	sshrl.u32 s1, $0x1  }
0xd: {  	s1 =	ssub.s32 s1, s7;
	s0 =	sadd.s32 s0, s6;
	s7 =	sor.u32 $0x1, s3  }
0xe: {  	s8 =	sor.u32 $0x2, s3;
	s31 =	smax.u32 s1, $0x1;
	[dreg:$0x3] =	wrdreg s0  }
0xf: {  	s9 =	sor.u32 $0x3, s3;
	s1 =	simm.s32 $0x0;
	[dreg:$0x4] =	wrdreg s31  }
.LBB2_26:
0x10: {  	s0 =	simm.s32 $0x5  }
0x11: {  	_ =	swait.ge [sflag:s0], $0x4000  }
0x12: {  	[sflag:s0] =	ssyncset.done $0x0  }
0x13: {  	[sflag:s0] =	ssyncadd.s32 $0xFFFFC000  }
0x14: {  	_ =	swait.ge [sflag:s22], $0x4000  }
0x15: {  	[sflag:s22] =	ssyncset.done $0x0  }
0x16: {  	[sflag:s22] =	ssyncadd.s32 $0xFFFFC000  }
0x17: {  	_ =	swait.ge [sflag:s25], $0x4000  }
0x18: {  	[sflag:s25] =	ssyncset.done $0x0  }
0x19: {  	[sflag:s25] =	ssyncadd.s32 $0xFFFFC000  }
0x1a: {  	_ =	swait.ge [sflag:s29], $0x4000  }
0x1b: {  	s1 =	sadd.s32 $0x1, s1;
	s31 =	rddreg [dreg:$0x4]  }
0x1c: {  	p0 =	sne.s32 s1, s31  }
.Ltmp1:
0x1d: {  	_ = 	snop;
	(pc) =	sbr.rel @!p0 .LBB2_27-.Ltmp1, $3  }
0x1e: {  	_ =	sdelay $0x1  }
0x1f: {  	[sflag:s29] =	ssyncset.done $0x0  }
0x20: {  	[sflag:s29] =	ssyncadd.s32 $0xFFFFC000  }
.LBB2_1:
0x21: {  	s0 =	rddreg [dreg:$0x3];
	s31 =	simm.s32 $0x9  }
0x22: {  	[tilespmem:s2], [sflag:$0x9] =	stream.linear.gather [hbm4b:s0+s2], $0x6400, $0x38;
	[tilespmem:$0x1E400] =	vst v63  }
0x23: {  	_ =	swait.ge [sflag:s31], $0x6400  }
0x24: {  	[sflag:s31] =	ssyncset.done $0x0  }
0x25: {  	s0 =	simm.s32 $0x0;
	[sflag:s31] =	ssyncadd.s32 $0xFFFF9C00  }
0x26: {  	v0 =	vld [tilespmem:s0+$0x70]  }
0x27: {  	v1 =	vld [tilespmem:s0+$0x0]  }
0x28: {  	v2 =	vld [tilespmem:s0+$0x10]  }
0x29: {  	v3 =	vld [tilespmem:s0+$0x20]  }
0x2a: {  	v5 =	vld [tilespmem:s0+$0x30]  }
0x2b: {  	v6 =	vld [tilespmem:s0+$0x40]  }
0x2c: {  	v8 =	vld [tilespmem:s0+$0x50]  }
0x2d: {  	v4 =	vshll.u32 v0, $0x1  }
0x2e: {  	v7 =	vand.u32 $0xFFFFC000, v0;
	v0 =	vshrl.u32 v0, $0xD;
	v9 =	vshll.u32 v1, $0x1  }
0x2f: {  	v11 =	vshll.u32 v3, $0x1;
	v15 =	vand.u32 $0xFFFFC000, v1;
	v19 =	vand.u32 $0xFFFFC000, v2  }
0x30: {  	v20 =	vand.u32 $0xFFFFC000, v3;
	v3 =	vshrl.u32 v3, $0xD;
	v21 =	vand.u32 $0xFFFFC000, v5  }
0x31: {  	v22 =	vand.u32 $0xFFFFC000, v6;
	v14 =	vand.u32 $0xFFFFC000, v8;
	v4 =	vand.u32 $0x3FFE, v4  }
0x32: {  	v10 =	vld [tilespmem:s0+$0x60];
	v0 =	vand.u32 $0x1, v0;
	v13 =	vand.u32 $0x3FFE, v9;
	v11 =	vand.u32 $0x3FFE, v11  }
0x33: {  	v9 =	vshrl.u32 v8, $0xD;
	v4 =	vor.u32 v7, v4;
	v7 =	vshll.u32 v2, $0x1  }
0x34: {  	v2 =	vshrl.u32 v2, $0xD;
	v12 =	vor.u32 v0, v4;
	v16 =	vand.u32 $0x3FFE, v7  }
0x35: {  	v0 =	vshll.u32 v5, $0x1;
	v4 =	vshll.u32 v8, $0x1;
	v7 =	vshrl.u32 v5, $0xD  }
0x36: {  	v5 =	vshrl.u32 v6, $0xD;
	v17 =	vand.u32 $0x3FFE, v0;
	v0 =	vshll.u32 v6, $0x1  }
0x37: {  	v6 =	vor.u32 v15, v13;
	v15 =	vand.u32 $0xFFFFC000, v10;
	v8 =	vor.u32 v19, v16  }
0x38: {  	v13 =	vshrl.u32 v10, $0xD;
	[tilespmem:s0+$0x70] =	vst v12;
	v12 =	vor.u32 v20, v11;
	v18 =	vand.u32 $0x3FFE, v0  }
0x39: {  	v0 =	vshrl.u32 v1, $0xD;
	v1 =	vand.u32 $0x3FFE, v4;
	v4 =	vshll.u32 v10, $0x1  }
0x3a: {  	s15 =	simm.s32 $0x80;
	s6 =	simm.s32 $0x400;
	v10 =	vor.u32 v21, v17;
	v4 =	vand.u32 $0x3FFE, v4;
	v11 =	vor.u32 v22, v18  }
.LBB2_2:
0x3b: {  	p0 =	sne.s32 s6, $0x18E00;
	v16 =	vld [tilespmem:s15+$0x70];
	v0 =	vand.u32 $0x1, v0;
	v1 =	vor.u32 v14, v1;
	v4 =	vor.u32 v15, v4  }
0x3c: {  	v2 =	vand.u32 $0x1, v2;
	v3 =	vand.u32 $0x1, v3;
	v7 =	vand.u32 $0x1, v7;
	v14 =	vld [tilespmem:s15+$0x0]  }
0x3d: {  	v5 =	vand.u32 $0x1, v5;
	v9 =	vand.u32 $0x1, v9;
	v13 =	vand.u32 $0x1, v13;
	v15 =	vld [tilespmem:s15+$0x10]  }
0x3e: {  	v0 =	vor.u32 v0, v6;
	v2 =	vor.u32 v2, v8;
	v3 =	vor.u32 v3, v12;
	v17 =	vld [tilespmem:s15+$0x20]  }
0x3f: {  	v5 =	vor.u32 v5, v11;
	v1 =	vor.u32 v9, v1;
	v6 =	vld [tilespmem:s15+$0x30];
	[tilespmem:s0+$0x0] =	vst v0;
	v0 =	vor.u32 v7, v10  }
0x40: {  	v8 =	vld [tilespmem:s15+$0x40];
	v7 =	vshll.u32 v16, $0x1;
	[tilespmem:s0+$0x10] =	vst v2;
	v2 =	vor.u32 v13, v4  }
0x41: {  	v4 =	vand.u32 $0xFFFFC000, v16;
	v10 =	vshrl.u32 v16, $0xD;
	v9 =	vld [tilespmem:s15+$0x50];
	v7 =	vand.u32 $0x3FFE, v7;
	[tilespmem:s0+$0x20] =	vst v3  }
0x42: {  	v3 =	vshll.u32 v14, $0x1;
	v11 =	vld [tilespmem:s15+$0x60];
	v4 =	vor.u32 v4, v7;
	v7 =	vand.u32 $0x1, v10;
	[tilespmem:s0+$0x30] =	vst v0  }
0x43: {  	v0 =	vshll.u32 v15, $0x1;
	v10 =	vshll.u32 v17, $0x1;
	v4 =	vor.u32 v7, v4;
	[tilespmem:s0+$0x40] =	vst v5  }
0x44: {  	v12 =	vand.u32 $0x3FFE, v3;
	v13 =	vand.u32 $0x3FFE, v0;
	v0 =	vshll.u32 v6, $0x1;
	[tilespmem:s15+$0x70] =	vst v4  }
0x45: {  	v10 =	vand.u32 $0x3FFE, v10;
	v16 =	vand.u32 $0x3FFE, v0;
	v0 =	vshll.u32 v8, $0x1;
	[tilespmem:s0+$0x50] =	vst v1  }
0x46: {  	v18 =	vand.u32 $0xFFFFC000, v14;
	v19 =	vand.u32 $0x3FFE, v0;
	v1 =	vshll.u32 v9, $0x1;
	[tilespmem:s0+$0x60] =	vst v2;
	s0 =	smov.u32 s15  }
0x47: {  	v0 =	vshrl.u32 v14, $0xD;
	v1 =	vand.u32 $0x3FFE, v1;
	v3 =	vshll.u32 v11, $0x1  }
0x48: {  	v20 =	vand.u32 $0xFFFFC000, v15;
	v2 =	vshrl.u32 v15, $0xD;
	v4 =	vand.u32 $0x3FFE, v3  }
.Ltmp2:
0x49: {  	v21 =	vand.u32 $0xFFFFC000, v17;
	v3 =	vshrl.u32 v17, $0xD;
	v17 =	vand.u32 $0xFFFFC000, v6;
	(pc) =	sbr.rel @p0 .LBB2_2-.Ltmp2, $4  }
0x4a: {  	v7 =	vshrl.u32 v6, $0xD;
	v22 =	vand.u32 $0xFFFFC000, v8;
	v5 =	vshrl.u32 v8, $0xD  }
0x4b: {  	v14 =	vand.u32 $0xFFFFC000, v9;
	v9 =	vshrl.u32 v9, $0xD;
	v15 =	vand.u32 $0xFFFFC000, v11  }
0x4c: {  	v8 =	vor.u32 v20, v13;
	v13 =	vshrl.u32 v11, $0xD;
	v6 =	vor.u32 v18, v12  }
0x4d: {  	s15 =	sshra.s32 s6, $0x2;
	s6 =	sadd.s32 $0x200, s6;
	v11 =	vor.u32 v22, v19;
	v12 =	vor.u32 v21, v10;
	v10 =	vor.u32 v17, v16  }
0x4e: {  	v16 =	vld [tilespmem:s15+$0x70]  }
0x4f: {  	v29 =	vld [tilespmem:s15+$0x0]  }
0x50: {  	v30 =	vld [tilespmem:s15+$0x10]  }
0x51: {  	v0 =	vand.u32 $0x1, v0;
	v1 =	vor.u32 v14, v1;
	v17 =	vld [tilespmem:s15+$0x20]  }
0x52: {  	v4 =	vor.u32 v15, v4;
	v2 =	vand.u32 $0x1, v2;
	v3 =	vand.u32 $0x1, v3;
	v31 =	vld [tilespmem:s15+$0x30]  }
0x53: {  	v7 =	vand.u32 $0x1, v7;
	v5 =	vand.u32 $0x1, v5;
	v9 =	vand.u32 $0x1, v9;
	v32 =	vld [tilespmem:s15+$0x40]  }
0x54: {  	v13 =	vand.u32 $0x1, v13;
	v34 =	vld [tilespmem:s15+$0x50];
	v0 =	vor.u32 v0, v6;
	v2 =	vor.u32 v2, v8  }
0x55: {  	v38 =	vld [tilespmem:s15+$0x60];
	v3 =	vor.u32 v3, v12;
	v7 =	vor.u32 v7, v10;
	v5 =	vor.u32 v5, v11  }
0x56: {  	v1 =	vor.u32 v9, v1;
	v4 =	vor.u32 v13, v4;
	v33 =	vshll.u32 v16, $0x1  }
0x57: {  	v35 =	vand.u32 $0xFFFFC000, v16;
	v36 =	vshrl.u32 v16, $0xD;
	v37 =	vshll.u32 v29, $0x1  }
0x58: {  	v40 =	vshll.u32 v30, $0x1;
	v18 =	vshll.u32 v17, $0x1;
	v42 =	vshll.u32 v31, $0x1  }
0x59: {  	v19 =	vshll.u32 v32, $0x1;
	v43 =	vand.u32 $0xFFFFC000, v29;
	v20 =	vshll.u32 v34, $0x1  }
0x5a: {  	v44 =	vshrl.u32 v29, $0xD;
	v46 =	vshll.u32 v38, $0x1;
	v47 =	vand.u32 $0xFFFFC000, v30  }
0x5b: {  	v15 =	vshrl.u32 v30, $0xD;
	v48 =	vand.u32 $0xFFFFC000, v17;
	v17 =	vshrl.u32 v17, $0xD  }
0x5c: {  	[tilespmem:s0+$0x0] =	vst v0;
	v21 =	vand.u32 $0xFFFFC000, v31;
	v49 =	vshrl.u32 v31, $0xD;
	v50 =	vand.u32 $0xFFFFC000, v32  }
0x5d: {  	[tilespmem:s0+$0x10] =	vst v2;
	v8 =	vshrl.u32 v32, $0xD;
	v51 =	vand.u32 $0xFFFFC000, v34;
	v10 =	vshrl.u32 v34, $0xD  }
0x5e: {  	[tilespmem:s0+$0x20] =	vst v3;
	v52 =	vand.u32 $0xFFFFC000, v38;
	v53 =	vshrl.u32 v38, $0xD;
	v9 =	vand.u32 $0x3FFE, v33  }
0x5f: {  	[tilespmem:s0+$0x30] =	vst v7;
	v39 =	vand.u32 $0x1, v36;
	v41 =	vand.u32 $0x3FFE, v37;
	v12 =	vand.u32 $0x3FFE, v40  }
0x60: {  	[tilespmem:s0+$0x40] =	vst v5;
	v18 =	vand.u32 $0x3FFE, v18;
	v13 =	vand.u32 $0x3FFE, v42;
	v19 =	vand.u32 $0x3FFE, v19  }
0x61: {  	[tilespmem:s0+$0x50] =	vst v1;
	v45 =	vand.u32 $0x3FFE, v20;
	v20 =	vand.u32 $0x3FFE, v46;
	v9 =	vor.u32 v35, v9  }
0x62: {  	[tilespmem:s0+$0x60] =	vst v4;
	v2 =	vand.u32 $0x1, v44;
	v0 =	vor.u32 v43, v41;
	v9 =	vor.u32 v39, v9  }
0x63: {  	v54 =	vand.u32 $0x1, v15;
	v3 =	vor.u32 v47, v12;
	v0 =	vor.u32 v2, v0;
	[tilespmem:s15+$0x70] =	vst v9  }
0x64: {  	v56 =	vand.u32 $0x1, v17;
	v55 =	vor.u32 v48, v18;
	v3 =	vor.u32 v54, v3;
	[tilespmem:s15+$0x0] =	vst v0  }
0x65: {  	v5 =	vand.u32 $0x1, v49;
	v57 =	vor.u32 v21, v13;
	v2 =	vor.u32 v56, v55;
	[tilespmem:s15+$0x10] =	vst v3  }
0x66: {  	v59 =	vand.u32 $0x1, v8;
	v58 =	vor.u32 v50, v19;
	v0 =	vor.u32 v5, v57;
	[tilespmem:s15+$0x20] =	vst v2  }
0x67: {  	v61 =	vand.u32 $0x1, v10;
	v60 =	vor.u32 v51, v45;
	v3 =	vor.u32 v59, v58;
	[tilespmem:s15+$0x30] =	vst v0  }
0x68: {  	v63 =	vand.u32 $0x1, v53;
	v62 =	vor.u32 v52, v20;
	v2 =	vor.u32 v61, v60;
	[tilespmem:s15+$0x40] =	vst v3  }
0x69: {  	v0 =	vor.u32 v63, v62;
	[tilespmem:s15+$0x50] =	vst v2  }
0x6a: {  	s0 =	simm.s32 $0x0;
	[tilespmem:s15+$0x60] =	vst v0  }
0x6b: {  	[tilespmem:s13], [sflag:$0x1] =	stream.indirect.gather [hbm4b:s4+s12], $0x40, s0, s12, $0xb8;
	[tilespmem:$0x1E400] =	vst v63  }
0x6c: {  	_ = 	snop  }
0x6d: {  	[tilespmem:s14], [sflag:$0x2] =	stream.indirect.gather [hbm4b:s4+s12], $0x40, s12, s12, $0xb8;
	[tilespmem:$0x1E400] =	vst v63  }
0x6e: {  	s6 =	simm.s32 $0x100  }
0x6f: {  	[tilespmem:s16], [sflag:$0x3] =	stream.indirect.gather [hbm4b:s4+s12], $0x40, s6, s12, $0xb8;
	[tilespmem:$0x1E400] =	vst v63  }
0x70: {  	s31 =	simm.s32 $0x180  }
0x71: {  	[tilespmem:s18], [sflag:$0x4] =	stream.indirect.gather [hbm4b:s4+s12], $0x40, s31, s12, $0xb8;
	[tilespmem:$0x1E400] =	vst v63  }
.LBB2_4:
0x72: {  	_ =	swait.ge [sflag:s19], $0x2000  }
0x73: {  	p0 =	seq.s32 s0, $0x0;
	[sflag:s19] =	ssyncset.done $0x0  }
0x74: {  	s6 =	simm.s32 @!p0 $0x5;
	[sflag:s19] =	ssyncadd.s32 $0xFFFFE000  }
0x75: {  	_ =	swait.ge @!p0 [sflag:s6], $0x4000  }
0x76: {  	[sflag:s6] =	ssyncset.done @!p0 $0x0  }
0x77: {  	s11 =	simm.s32 $0x6480;
	[sflag:s6] =	ssyncadd.s32 @!p0 $0xFFFFC000  }
0x78: {  	v1 =	vld [tilespmem:s11+$0xFFFFFFC0]  }
0x79: {  	v0 =	vld [tilespmem:s11+$0x40]  }
0x7a: {  	v2 =	vld [tilespmem:s11+$0x0];
	_ =	sdelay $0x1  }
0x7b: {  	s17 =	simm.s32 $0xE500  }
0x7c: {  	v3 =	vld [tilespmem:s11+$0xFFFFFF80];
	[tilespmem:s17+$0xFFFFFF80] =	vst v1  }
0x7d: {  	[tilespmem:s17+$0x80] =	vst v0;
	v1 =	vld [tilespmem:s11+$0xFFFFFFD0]  }
0x7e: {  	[tilespmem:s17+$0x0] =	vst v2;
	v0 =	vld [tilespmem:s11+$0x50]  }
0x7f: {  	v2 =	vld [tilespmem:s11+$0x10]  }
0x80: {  	s6 =	simm.s32 $0x6580  }
0x81: {  	v4 =	vld [tilespmem:s6+$0x40];
	[tilespmem:s17+$0xFFFFFF00] =	vst v3  }
0x82: {  	v3 =	vld [tilespmem:s11+$0xFFFFFF90];
	[tilespmem:s17+$0xFFFFFF90] =	vst v1  }
0x83: {  	[tilespmem:s17+$0x90] =	vst v0;
	v1 =	vld [tilespmem:s11+$0xFFFFFFE0]  }
0x84: {  	[tilespmem:s17+$0x10] =	vst v2;
	v0 =	vld [tilespmem:s11+$0x60]  }
0x85: {  	s10 =	simm.s32 $0xE700;
	v2 =	vld [tilespmem:s11+$0x20]  }
0x86: {  	v5 =	vld [tilespmem:s6+$0xFFFFFFC0];
	[tilespmem:s10+$0x80] =	vst v4  }
0x87: {  	v4 =	vld [tilespmem:s6+$0x50];
	[tilespmem:s17+$0xFFFFFF10] =	vst v3  }
0x88: {  	[tilespmem:s17+$0xFFFFFFA0] =	vst v1;
	v1 =	vld [tilespmem:s6+$0x0]  }
0x89: {  	v3 =	vld [tilespmem:s6+$0xFFFFFF80];
	[tilespmem:s17+$0xA0] =	vst v0  }
0x8a: {  	[tilespmem:s17+$0x20] =	vst v2;
	v2 =	vld [tilespmem:s11+$0xFFFFFFA0]  }
0x8b: {  	[tilespmem:s10+$0xFFFFFF80] =	vst v5;
	v0 =	vld [tilespmem:s11+$0x70]  }
0x8c: {  	v5 =	vld [tilespmem:s6+$0xFFFFFFD0];
	[tilespmem:s10+$0x90] =	vst v4  }
0x8d: {  	[tilespmem:s10+$0x0] =	vst v1;
	v1 =	vld [tilespmem:s11+$0xFFFFFFF0]  }
0x8e: {  	[tilespmem:s10+$0xFFFFFF00] =	vst v3;
	v6 =	vld [tilespmem:s6+$0x10]  }
0x8f: {  	v7 =	vld [tilespmem:s6+$0xFFFFFF90];
	[tilespmem:s17+$0xFFFFFF20] =	vst v2  }
0x90: {  	[tilespmem:s17+$0xB0] =	vst v0;
	v0 =	vld [tilespmem:s11+$0xFFFFFFB0]  }
0x91: {  	[tilespmem:s10+$0xFFFFFF90] =	vst v5;
	v2 =	vld [tilespmem:s6+$0x60]  }
0x92: {  	v3 =	vld [tilespmem:s6+$0xFFFFFFE0];
	[tilespmem:s17+$0xFFFFFFB0] =	vst v1  }
0x93: {  	v1 =	vld [tilespmem:s11+$0x30];
	[tilespmem:s10+$0x10] =	vst v6  }
0x94: {  	s15 =	sshll.u32 s0, $0x2;
	s31 =	simm.s32 $0x6680;
	[tilespmem:s10+$0xFFFFFF10] =	vst v7;
	s11 =	simm.s32 $0x4;
	v4 =	vld [tilespmem:s6+$0x20]  }
.LBB2_5:
0x95: {  	v5 =	vld [tilespmem:s31+$0x40];
	s11 =	sadd.s32 $0x4, s11;
	[tilespmem:s17+$0xFFFFFF30] =	vst v0  }
0x96: {  	v0 =	vld [tilespmem:s31+$0xFFFFFFC0];
	p1 =	slt.u32 s11, $0x7C;
	[tilespmem:s10+$0xA0] =	vst v2  }
0x97: {  	[tilespmem:s10+$0xFFFFFFA0] =	vst v3;
	v2 =	vld [tilespmem:s6+$0x70]  }
0x98: {  	v3 =	vld [tilespmem:s31+$0x0];
	[tilespmem:s17+$0x30] =	vst v1;
	s17 =	smov.u32 s10  }
0x99: {  	s10 =	sadd.s32 $0x200, s10;
	v1 =	vld [tilespmem:s31+$0xFFFFFF80];
	[tilespmem:s17+$0x20] =	vst v4  }
0x9a: {  	[tilespmem:s10+$0x80] =	vst v5;
	v4 =	vld [tilespmem:s6+$0xFFFFFFA0]  }
0x9b: {  	[tilespmem:s10+$0xFFFFFF80] =	vst v0;
	v0 =	vld [tilespmem:s31+$0x50]  }
0x9c: {  	v5 =	vld [tilespmem:s31+$0xFFFFFFD0];
	[tilespmem:s17+$0xB0] =	vst v2  }
0x9d: {  	[tilespmem:s10+$0x0] =	vst v3;
	v6 =	vld [tilespmem:s6+$0xFFFFFFF0]  }
0x9e: {  	[tilespmem:s10+$0xFFFFFF00] =	vst v1;
	v1 =	vld [tilespmem:s31+$0x10]  }
0x9f: {  	v7 =	vld [tilespmem:s31+$0xFFFFFF90];
	[tilespmem:s17+$0xFFFFFF20] =	vst v4  }
.Ltmp3:
0xa0: {  	[tilespmem:s10+$0x90] =	vst v0;
	v0 =	vld [tilespmem:s6+$0xFFFFFFB0];
	(pc) =	sbr.rel @p1 .LBB2_5-.Ltmp3, $4  }
0xa1: {  	[tilespmem:s10+$0xFFFFFF90] =	vst v5;
	v2 =	vld [tilespmem:s31+$0x60]  }
0xa2: {  	v3 =	vld [tilespmem:s31+$0xFFFFFFE0];
	[tilespmem:s17+$0xFFFFFFB0] =	vst v6  }
0xa3: {  	[tilespmem:s10+$0x10] =	vst v1;
	v1 =	vld [tilespmem:s6+$0x30];
	s6 =	smov.u32 s31  }
0xa4: {  	s31 =	sadd.s32 $0x100, s31;
	[tilespmem:s10+$0xFFFFFF10] =	vst v7;
	v4 =	vld [tilespmem:s6+$0x20]  }
0xa5: {  	v5 =	vld [tilespmem:s6+$0xFFFFFFA0];
	_ =	sdelay $0x1  }
0xa6: {  	[tilespmem:s10+$0xA0] =	vst v2  }
0xa7: {  	[tilespmem:s10+$0xFFFFFFA0] =	vst v3;
	v2 =	vld [tilespmem:s6+$0x70]  }
0xa8: {  	v3 =	vld [tilespmem:s6+$0xFFFFFFF0];
	[tilespmem:s10+$0x20] =	vst v4  }
0xa9: {  	[tilespmem:s10+$0xFFFFFF20] =	vst v5;
	v63 =	vld [tilespmem:s6+$0x30]  }
0xaa: {  	[tilespmem:s17+$0xFFFFFF30] =	vst v0;
	v62 =	vld [tilespmem:s6+$0xFFFFFFB0]  }
0xab: {  	p1 =	sne.s32 s0, $0x31;
	[tilespmem:s17+$0x30] =	vst v1  }
.Ltmp4:
0xac: {  	[tilespmem:s10+$0xB0] =	vst v2;
	(pc) =	sbr.rel @p1 .LBB2_8-.Ltmp4, $4  }
0xad: {  	s31 =	sadd.s32 s3, s15;
	[tilespmem:s10+$0xFFFFFFB0] =	vst v3  }
0xae: {  	s6 =	sshll.u32 s31, $0xB;
	[tilespmem:s10+$0x30] =	vst v63  }
0xaf: {  	s6 =	sadd.s32 s5, s6;
	[tilespmem:s10+$0xFFFFFF30] =	vst v62  }
0xb0: {  	[hbm4b:s6+s2] =	stream.linear.scatter [tilespmem:s20], [sflag:$0x5], $0x4000, $0x38;
	[tilespmem:$0x1E400] =	vst v63  }
.Ltmp5:
0xb1: {  	(pc) =	sbr.rel .LBB2_9-.Ltmp5, $4  }
0xb2: {  	_ = 	snop  }
0xb3: {  	_ =	swait.ge [sflag:s21], $0x2000  }
0xb4: {  	[sflag:s21] =	ssyncset.done $0x0  }
0xb5: {  	[sflag:s21] =	ssyncadd.s32 $0xFFFFE000  }
.LBB2_8:
0xb6: {  	s6 =	sshll.u32 s0, $0x9  }
0xb7: {  	s6 =	sand.u32 $0x3FFFFE00, s6  }
.Ltmp6:
0xb8: {  	s6 =	sadd.s32 $0x200, s6;
	(pc) =	sbr.rel @p0 .LBB2_10-.Ltmp6, $4  }
0xb9: {  	[tilespmem:s13], [sflag:$0x1] =	stream.indirect.gather [hbm4b:s4+s12], $0x40, s6, s12, $0xb8;
	[tilespmem:$0x1E400] =	vst v63  }
0xba: {  	_ =	swait.ge [sflag:s21], $0x2000  }
0xbb: {  	[sflag:s21] =	ssyncset.done $0x0  }
0xbc: {  	[sflag:s21] =	ssyncadd.s32 $0xFFFFE000  }
.LBB2_9:
0xbd: {  	_ =	swait.ge [sflag:s22], $0x4000  }
0xbe: {  	[sflag:s22] =	ssyncset.done $0x0  }
0xbf: {  	[sflag:s22] =	ssyncadd.s32 $0xFFFFC000  }
.LBB2_10:
0xc0: {  	s11 =	simm.s32 $0x84F0  }
0xc1: {  	v1 =	vld [tilespmem:s11+$0xFFFFFF50]  }
0xc2: {  	v0 =	vld [tilespmem:s11+$0xFFFFFFD0]  }
0xc3: {  	v2 =	vld [tilespmem:s11+$0xFFFFFF90];
	_ =	sdelay $0x1  }
0xc4: {  	s17 =	simm.s32 $0x125B0  }
0xc5: {  	v3 =	vld [tilespmem:s11+$0xFFFFFF10];
	[tilespmem:s17+$0xFFFFFED0] =	vst v1  }
0xc6: {  	[tilespmem:s17+$0xFFFFFFD0] =	vst v0;
	v1 =	vld [tilespmem:s11+$0xFFFFFF60]  }
0xc7: {  	[tilespmem:s17+$0xFFFFFF50] =	vst v2;
	v0 =	vld [tilespmem:s11+$0xFFFFFFE0]  }
0xc8: {  	v2 =	vld [tilespmem:s11+$0xFFFFFFA0]  }
0xc9: {  	s6 =	simm.s32 $0x85F0  }
0xca: {  	v4 =	vld [tilespmem:s6+$0xFFFFFFD0];
	[tilespmem:s17+$0xFFFFFE50] =	vst v3  }
0xcb: {  	v3 =	vld [tilespmem:s11+$0xFFFFFF20];
	[tilespmem:s17+$0xFFFFFEE0] =	vst v1  }
0xcc: {  	[tilespmem:s17+$0xFFFFFFE0] =	vst v0;
	v1 =	vld [tilespmem:s11+$0xFFFFFF70]  }
0xcd: {  	[tilespmem:s17+$0xFFFFFF60] =	vst v2;
	v0 =	vld [tilespmem:s11+$0xFFFFFFF0]  }
0xce: {  	s10 =	simm.s32 $0x127B0;
	v2 =	vld [tilespmem:s11+$0xFFFFFFB0]  }
0xcf: {  	v5 =	vld [tilespmem:s6+$0xFFFFFF50];
	[tilespmem:s10+$0xFFFFFFD0] =	vst v4  }
0xd0: {  	v4 =	vld [tilespmem:s6+$0xFFFFFFE0];
	[tilespmem:s17+$0xFFFFFE60] =	vst v3  }
0xd1: {  	[tilespmem:s17+$0xFFFFFEF0] =	vst v1;
	v1 =	vld [tilespmem:s6+$0xFFFFFF90]  }
0xd2: {  	v3 =	vld [tilespmem:s6+$0xFFFFFF10];
	[tilespmem:s17+$0xFFFFFFF0] =	vst v0  }
0xd3: {  	[tilespmem:s17+$0xFFFFFF70] =	vst v2;
	v2 =	vld [tilespmem:s11+$0xFFFFFF30]  }
0xd4: {  	[tilespmem:s10+$0xFFFFFED0] =	vst v5;
	v0 =	vld [tilespmem:s11+$0x0]  }
0xd5: {  	v5 =	vld [tilespmem:s6+$0xFFFFFF60];
	[tilespmem:s10+$0xFFFFFFE0] =	vst v4  }
0xd6: {  	[tilespmem:s10+$0xFFFFFF50] =	vst v1;
	v1 =	vld [tilespmem:s11+$0xFFFFFF80]  }
0xd7: {  	[tilespmem:s10+$0xFFFFFE50] =	vst v3;
	v6 =	vld [tilespmem:s6+$0xFFFFFFA0]  }
0xd8: {  	v7 =	vld [tilespmem:s6+$0xFFFFFF20];
	[tilespmem:s17+$0xFFFFFE70] =	vst v2  }
0xd9: {  	[tilespmem:s17+$0x0] =	vst v0;
	v0 =	vld [tilespmem:s11+$0xFFFFFF40]  }
0xda: {  	[tilespmem:s10+$0xFFFFFEE0] =	vst v5;
	v2 =	vld [tilespmem:s6+$0xFFFFFFF0]  }
0xdb: {  	v3 =	vld [tilespmem:s6+$0xFFFFFF70];
	[tilespmem:s17+$0xFFFFFF00] =	vst v1  }
0xdc: {  	v1 =	vld [tilespmem:s11+$0xFFFFFFC0];
	[tilespmem:s10+$0xFFFFFF60] =	vst v6  }
0xdd: {  	s31 =	simm.s32 $0x86F0;
	[tilespmem:s10+$0xFFFFFE60] =	vst v7;
	s11 =	simm.s32 $0x4;
	v4 =	vld [tilespmem:s6+$0xFFFFFFB0]  }
.LBB2_11:
0xde: {  	v5 =	vld [tilespmem:s31+$0xFFFFFFD0];
	s11 =	sadd.s32 $0x4, s11;
	[tilespmem:s17+$0xFFFFFE80] =	vst v0  }
0xdf: {  	v0 =	vld [tilespmem:s31+$0xFFFFFF50];
	p2 =	slt.u32 s11, $0x7C;
	[tilespmem:s10+$0xFFFFFFF0] =	vst v2  }
0xe0: {  	[tilespmem:s10+$0xFFFFFEF0] =	vst v3;
	v2 =	vld [tilespmem:s6+$0x0]  }
0xe1: {  	v3 =	vld [tilespmem:s31+$0xFFFFFF90];
	[tilespmem:s17+$0xFFFFFF80] =	vst v1;
	s17 =	smov.u32 s10  }
0xe2: {  	s10 =	sadd.s32 $0x200, s10;
	v1 =	vld [tilespmem:s31+$0xFFFFFF10];
	[tilespmem:s17+$0xFFFFFF70] =	vst v4  }
0xe3: {  	[tilespmem:s10+$0xFFFFFFD0] =	vst v5;
	v4 =	vld [tilespmem:s6+$0xFFFFFF30]  }
0xe4: {  	[tilespmem:s10+$0xFFFFFED0] =	vst v0;
	v0 =	vld [tilespmem:s31+$0xFFFFFFE0]  }
0xe5: {  	v5 =	vld [tilespmem:s31+$0xFFFFFF60];
	[tilespmem:s17+$0x0] =	vst v2  }
0xe6: {  	[tilespmem:s10+$0xFFFFFF50] =	vst v3;
	v6 =	vld [tilespmem:s6+$0xFFFFFF80]  }
0xe7: {  	[tilespmem:s10+$0xFFFFFE50] =	vst v1;
	v1 =	vld [tilespmem:s31+$0xFFFFFFA0]  }
0xe8: {  	v7 =	vld [tilespmem:s31+$0xFFFFFF20];
	[tilespmem:s17+$0xFFFFFE70] =	vst v4  }
.Ltmp7:
0xe9: {  	[tilespmem:s10+$0xFFFFFFE0] =	vst v0;
	v0 =	vld [tilespmem:s6+$0xFFFFFF40];
	(pc) =	sbr.rel @p2 .LBB2_11-.Ltmp7, $4  }
0xea: {  	[tilespmem:s10+$0xFFFFFEE0] =	vst v5;
	v2 =	vld [tilespmem:s31+$0xFFFFFFF0]  }
0xeb: {  	v3 =	vld [tilespmem:s31+$0xFFFFFF70];
	[tilespmem:s17+$0xFFFFFF00] =	vst v6  }
0xec: {  	[tilespmem:s10+$0xFFFFFF60] =	vst v1;
	v1 =	vld [tilespmem:s6+$0xFFFFFFC0];
	s6 =	smov.u32 s31  }
0xed: {  	s31 =	sadd.s32 $0x100, s31;
	[tilespmem:s10+$0xFFFFFE60] =	vst v7;
	v4 =	vld [tilespmem:s6+$0xFFFFFFB0]  }
0xee: {  	v5 =	vld [tilespmem:s6+$0xFFFFFF30];
	_ =	sdelay $0x1  }
0xef: {  	[tilespmem:s10+$0xFFFFFFF0] =	vst v2  }
0xf0: {  	[tilespmem:s10+$0xFFFFFEF0] =	vst v3;
	v2 =	vld [tilespmem:s6+$0x0]  }
0xf1: {  	v3 =	vld [tilespmem:s6+$0xFFFFFF80];
	[tilespmem:s10+$0xFFFFFF70] =	vst v4  }
0xf2: {  	[tilespmem:s10+$0xFFFFFE70] =	vst v5;
	v63 =	vld [tilespmem:s6+$0xFFFFFFC0]  }
0xf3: {  	[tilespmem:s17+$0xFFFFFE80] =	vst v0;
	v62 =	vld [tilespmem:s6+$0xFFFFFF40]  }
0xf4: {  	[tilespmem:s17+$0xFFFFFF80] =	vst v1  }
.Ltmp8:
0xf5: {  	s31 =	sadd.s32 s15, s7;
	[tilespmem:s10+$0x0] =	vst v2;
	(pc) =	sbr.rel @p1 .LBB2_14-.Ltmp8, $4  }
0xf6: {  	s6 =	sshll.u32 s31, $0xB;
	[tilespmem:s10+$0xFFFFFF00] =	vst v3  }
0xf7: {  	s6 =	sand.u32 $0x1FFFE800, s6;
	[tilespmem:s10+$0xFFFFFF80] =	vst v63  }
0xf8: {  	s6 =	sadd.s32 s5, s6;
	[tilespmem:s10+$0xFFFFFE80] =	vst v62  }
0xf9: {  	[hbm4b:s6+s2] =	stream.linear.scatter [tilespmem:s23], [sflag:$0x6], $0x4000, $0x38;
	[tilespmem:$0x1E400] =	vst v63  }
.Ltmp9:
0xfa: {  	(pc) =	sbr.rel .LBB2_15-.Ltmp9, $4  }
0xfb: {  	_ = 	snop  }
0xfc: {  	_ =	swait.ge [sflag:s24], $0x2000  }
0xfd: {  	[sflag:s24] =	ssyncset.done $0x0  }
0xfe: {  	[sflag:s24] =	ssyncadd.s32 $0xFFFFE000  }
.LBB2_14:
0xff: {  	s6 =	sshll.u32 s0, $0x9  }
0x100: {  	s6 =	sand.u32 $0x3FFFFE00, s6  }
.Ltmp10:
0x101: {  	s6 =	sadd.s32 $0x280, s6;
	(pc) =	sbr.rel @p0 .LBB2_16-.Ltmp10, $4  }
0x102: {  	[tilespmem:s14], [sflag:$0x2] =	stream.indirect.gather [hbm4b:s4+s12], $0x40, s6, s12, $0xb8;
	[tilespmem:$0x1E400] =	vst v63  }
0x103: {  	_ =	swait.ge [sflag:s24], $0x2000  }
0x104: {  	[sflag:s24] =	ssyncset.done $0x0  }
0x105: {  	[sflag:s24] =	ssyncadd.s32 $0xFFFFE000  }
.LBB2_15:
0x106: {  	_ =	swait.ge [sflag:s25], $0x4000  }
0x107: {  	[sflag:s25] =	ssyncset.done $0x0  }
0x108: {  	[sflag:s25] =	ssyncadd.s32 $0xFFFFC000  }
.LBB2_16:
0x109: {  	s11 =	simm.s32 $0xA4F0  }
0x10a: {  	v1 =	vld [tilespmem:s11+$0xFFFFFF50]  }
0x10b: {  	v0 =	vld [tilespmem:s11+$0xFFFFFFD0]  }
0x10c: {  	v2 =	vld [tilespmem:s11+$0xFFFFFF90];
	_ =	sdelay $0x1  }
0x10d: {  	s17 =	simm.s32 $0x165B0  }
0x10e: {  	v3 =	vld [tilespmem:s11+$0xFFFFFF10];
	[tilespmem:s17+$0xFFFFFED0] =	vst v1  }
0x10f: {  	[tilespmem:s17+$0xFFFFFFD0] =	vst v0;
	v1 =	vld [tilespmem:s11+$0xFFFFFF60]  }
0x110: {  	[tilespmem:s17+$0xFFFFFF50] =	vst v2;
	v0 =	vld [tilespmem:s11+$0xFFFFFFE0]  }
0x111: {  	v2 =	vld [tilespmem:s11+$0xFFFFFFA0]  }
0x112: {  	s6 =	simm.s32 $0xA5F0  }
0x113: {  	v4 =	vld [tilespmem:s6+$0xFFFFFFD0];
	[tilespmem:s17+$0xFFFFFE50] =	vst v3  }
0x114: {  	v3 =	vld [tilespmem:s11+$0xFFFFFF20];
	[tilespmem:s17+$0xFFFFFEE0] =	vst v1  }
0x115: {  	[tilespmem:s17+$0xFFFFFFE0] =	vst v0;
	v1 =	vld [tilespmem:s11+$0xFFFFFF70]  }
0x116: {  	[tilespmem:s17+$0xFFFFFF60] =	vst v2;
	v0 =	vld [tilespmem:s11+$0xFFFFFFF0]  }
0x117: {  	s10 =	simm.s32 $0x167B0;
	v2 =	vld [tilespmem:s11+$0xFFFFFFB0]  }
0x118: {  	v5 =	vld [tilespmem:s6+$0xFFFFFF50];
	[tilespmem:s10+$0xFFFFFFD0] =	vst v4  }
0x119: {  	v4 =	vld [tilespmem:s6+$0xFFFFFFE0];
	[tilespmem:s17+$0xFFFFFE60] =	vst v3  }
0x11a: {  	[tilespmem:s17+$0xFFFFFEF0] =	vst v1;
	v1 =	vld [tilespmem:s6+$0xFFFFFF90]  }
0x11b: {  	v3 =	vld [tilespmem:s6+$0xFFFFFF10];
	[tilespmem:s17+$0xFFFFFFF0] =	vst v0  }
0x11c: {  	[tilespmem:s17+$0xFFFFFF70] =	vst v2;
	v2 =	vld [tilespmem:s11+$0xFFFFFF30]  }
0x11d: {  	[tilespmem:s10+$0xFFFFFED0] =	vst v5;
	v0 =	vld [tilespmem:s11+$0x0]  }
0x11e: {  	v5 =	vld [tilespmem:s6+$0xFFFFFF60];
	[tilespmem:s10+$0xFFFFFFE0] =	vst v4  }
0x11f: {  	[tilespmem:s10+$0xFFFFFF50] =	vst v1;
	v1 =	vld [tilespmem:s11+$0xFFFFFF80]  }
0x120: {  	[tilespmem:s10+$0xFFFFFE50] =	vst v3;
	v6 =	vld [tilespmem:s6+$0xFFFFFFA0]  }
0x121: {  	v7 =	vld [tilespmem:s6+$0xFFFFFF20];
	[tilespmem:s17+$0xFFFFFE70] =	vst v2  }
0x122: {  	[tilespmem:s17+$0x0] =	vst v0;
	v0 =	vld [tilespmem:s11+$0xFFFFFF40]  }
0x123: {  	[tilespmem:s10+$0xFFFFFEE0] =	vst v5;
	v2 =	vld [tilespmem:s6+$0xFFFFFFF0]  }
0x124: {  	v3 =	vld [tilespmem:s6+$0xFFFFFF70];
	[tilespmem:s17+$0xFFFFFF00] =	vst v1  }
0x125: {  	v1 =	vld [tilespmem:s11+$0xFFFFFFC0];
	[tilespmem:s10+$0xFFFFFF60] =	vst v6  }
0x126: {  	s31 =	simm.s32 $0xA6F0;
	[tilespmem:s10+$0xFFFFFE60] =	vst v7;
	s11 =	simm.s32 $0x4;
	v4 =	vld [tilespmem:s6+$0xFFFFFFB0]  }
.LBB2_17:
0x127: {  	v5 =	vld [tilespmem:s31+$0xFFFFFFD0];
	s11 =	sadd.s32 $0x4, s11;
	[tilespmem:s17+$0xFFFFFE80] =	vst v0  }
0x128: {  	v0 =	vld [tilespmem:s31+$0xFFFFFF50];
	p2 =	slt.u32 s11, $0x7C;
	[tilespmem:s10+$0xFFFFFFF0] =	vst v2  }
0x129: {  	[tilespmem:s10+$0xFFFFFEF0] =	vst v3;
	v2 =	vld [tilespmem:s6+$0x0]  }
0x12a: {  	v3 =	vld [tilespmem:s31+$0xFFFFFF90];
	[tilespmem:s17+$0xFFFFFF80] =	vst v1;
	s17 =	smov.u32 s10  }
0x12b: {  	s10 =	sadd.s32 $0x200, s10;
	v1 =	vld [tilespmem:s31+$0xFFFFFF10];
	[tilespmem:s17+$0xFFFFFF70] =	vst v4  }
0x12c: {  	[tilespmem:s10+$0xFFFFFFD0] =	vst v5;
	v4 =	vld [tilespmem:s6+$0xFFFFFF30]  }
0x12d: {  	[tilespmem:s10+$0xFFFFFED0] =	vst v0;
	v0 =	vld [tilespmem:s31+$0xFFFFFFE0]  }
0x12e: {  	v5 =	vld [tilespmem:s31+$0xFFFFFF60];
	[tilespmem:s17+$0x0] =	vst v2  }
0x12f: {  	[tilespmem:s10+$0xFFFFFF50] =	vst v3;
	v6 =	vld [tilespmem:s6+$0xFFFFFF80]  }
0x130: {  	[tilespmem:s10+$0xFFFFFE50] =	vst v1;
	v1 =	vld [tilespmem:s31+$0xFFFFFFA0]  }
0x131: {  	v7 =	vld [tilespmem:s31+$0xFFFFFF20];
	[tilespmem:s17+$0xFFFFFE70] =	vst v4  }
.Ltmp11:
0x132: {  	[tilespmem:s10+$0xFFFFFFE0] =	vst v0;
	v0 =	vld [tilespmem:s6+$0xFFFFFF40];
	(pc) =	sbr.rel @p2 .LBB2_17-.Ltmp11, $4  }
0x133: {  	[tilespmem:s10+$0xFFFFFEE0] =	vst v5;
	v2 =	vld [tilespmem:s31+$0xFFFFFFF0]  }
0x134: {  	v3 =	vld [tilespmem:s31+$0xFFFFFF70];
	[tilespmem:s17+$0xFFFFFF00] =	vst v6  }
0x135: {  	[tilespmem:s10+$0xFFFFFF60] =	vst v1;
	v1 =	vld [tilespmem:s6+$0xFFFFFFC0];
	s6 =	smov.u32 s31  }
0x136: {  	s31 =	sadd.s32 $0x100, s31;
	[tilespmem:s10+$0xFFFFFE60] =	vst v7;
	v4 =	vld [tilespmem:s6+$0xFFFFFFB0]  }
0x137: {  	v5 =	vld [tilespmem:s6+$0xFFFFFF30];
	_ =	sdelay $0x1  }
0x138: {  	[tilespmem:s10+$0xFFFFFFF0] =	vst v2  }
0x139: {  	[tilespmem:s10+$0xFFFFFEF0] =	vst v3;
	v2 =	vld [tilespmem:s6+$0x0]  }
0x13a: {  	v3 =	vld [tilespmem:s6+$0xFFFFFF80];
	[tilespmem:s10+$0xFFFFFF70] =	vst v4  }
0x13b: {  	[tilespmem:s10+$0xFFFFFE70] =	vst v5;
	v63 =	vld [tilespmem:s6+$0xFFFFFFC0]  }
0x13c: {  	[tilespmem:s17+$0xFFFFFE80] =	vst v0;
	v62 =	vld [tilespmem:s6+$0xFFFFFF40]  }
0x13d: {  	[tilespmem:s17+$0xFFFFFF80] =	vst v1  }
.Ltmp12:
0x13e: {  	s31 =	sadd.s32 s15, s8;
	[tilespmem:s10+$0x0] =	vst v2;
	(pc) =	sbr.rel @p1 .LBB2_20-.Ltmp12, $4  }
0x13f: {  	s6 =	sshll.u32 s31, $0xB;
	[tilespmem:s10+$0xFFFFFF00] =	vst v3  }
0x140: {  	s6 =	sand.u32 $0x1FFFF000, s6;
	[tilespmem:s10+$0xFFFFFF80] =	vst v63  }
0x141: {  	s6 =	sadd.s32 s5, s6;
	[tilespmem:s10+$0xFFFFFE80] =	vst v62  }
0x142: {  	[hbm4b:s6+s2] =	stream.linear.scatter [tilespmem:s26], [sflag:$0x7], $0x4000, $0x38;
	[tilespmem:$0x1E400] =	vst v63  }
.Ltmp13:
0x143: {  	(pc) =	sbr.rel .LBB2_21-.Ltmp13, $4  }
0x144: {  	_ = 	snop  }
0x145: {  	_ =	swait.ge [sflag:s28], $0x2000  }
0x146: {  	[sflag:s28] =	ssyncset.done $0x0  }
0x147: {  	[sflag:s28] =	ssyncadd.s32 $0xFFFFE000  }
.LBB2_20:
0x148: {  	s6 =	sshll.u32 s0, $0x9  }
0x149: {  	s6 =	sand.u32 $0x3FFFFE00, s6  }
.Ltmp14:
0x14a: {  	s6 =	sadd.s32 $0x300, s6;
	(pc) =	sbr.rel @p0 .LBB2_22-.Ltmp14, $4  }
0x14b: {  	[tilespmem:s16], [sflag:$0x3] =	stream.indirect.gather [hbm4b:s4+s12], $0x40, s6, s12, $0xb8;
	[tilespmem:$0x1E400] =	vst v63  }
0x14c: {  	_ =	swait.ge [sflag:s28], $0x2000  }
0x14d: {  	[sflag:s28] =	ssyncset.done $0x0  }
0x14e: {  	[sflag:s28] =	ssyncadd.s32 $0xFFFFE000  }
.LBB2_21:
0x14f: {  	_ =	swait.ge [sflag:s29], $0x4000  }
0x150: {  	[sflag:s29] =	ssyncset.done $0x0  }
0x151: {  	[sflag:s29] =	ssyncadd.s32 $0xFFFFC000  }
.LBB2_22:
0x152: {  	s11 =	simm.s32 $0xC4F0  }
0x153: {  	v1 =	vld [tilespmem:s11+$0xFFFFFF50]  }
0x154: {  	v0 =	vld [tilespmem:s11+$0xFFFFFFD0]  }
0x155: {  	v2 =	vld [tilespmem:s11+$0xFFFFFF90];
	_ =	sdelay $0x1  }
0x156: {  	s17 =	simm.s32 $0x1A5B0  }
0x157: {  	v3 =	vld [tilespmem:s11+$0xFFFFFF10];
	[tilespmem:s17+$0xFFFFFED0] =	vst v1  }
0x158: {  	[tilespmem:s17+$0xFFFFFFD0] =	vst v0;
	v1 =	vld [tilespmem:s11+$0xFFFFFF60]  }
0x159: {  	[tilespmem:s17+$0xFFFFFF50] =	vst v2;
	v0 =	vld [tilespmem:s11+$0xFFFFFFE0]  }
0x15a: {  	v2 =	vld [tilespmem:s11+$0xFFFFFFA0]  }
0x15b: {  	s6 =	simm.s32 $0xC5F0  }
0x15c: {  	v4 =	vld [tilespmem:s6+$0xFFFFFFD0];
	[tilespmem:s17+$0xFFFFFE50] =	vst v3  }
0x15d: {  	v3 =	vld [tilespmem:s11+$0xFFFFFF20];
	[tilespmem:s17+$0xFFFFFEE0] =	vst v1  }
0x15e: {  	[tilespmem:s17+$0xFFFFFFE0] =	vst v0;
	v1 =	vld [tilespmem:s11+$0xFFFFFF70]  }
0x15f: {  	[tilespmem:s17+$0xFFFFFF60] =	vst v2;
	v0 =	vld [tilespmem:s11+$0xFFFFFFF0]  }
0x160: {  	s10 =	simm.s32 $0x1A7B0;
	v2 =	vld [tilespmem:s11+$0xFFFFFFB0]  }
0x161: {  	v5 =	vld [tilespmem:s6+$0xFFFFFF50];
	[tilespmem:s10+$0xFFFFFFD0] =	vst v4  }
0x162: {  	v4 =	vld [tilespmem:s6+$0xFFFFFFE0];
	[tilespmem:s17+$0xFFFFFE60] =	vst v3  }
0x163: {  	[tilespmem:s17+$0xFFFFFEF0] =	vst v1;
	v1 =	vld [tilespmem:s6+$0xFFFFFF90]  }
0x164: {  	v3 =	vld [tilespmem:s6+$0xFFFFFF10];
	[tilespmem:s17+$0xFFFFFFF0] =	vst v0  }
0x165: {  	[tilespmem:s17+$0xFFFFFF70] =	vst v2;
	v2 =	vld [tilespmem:s11+$0xFFFFFF30]  }
0x166: {  	[tilespmem:s10+$0xFFFFFED0] =	vst v5;
	v0 =	vld [tilespmem:s11+$0x0]  }
0x167: {  	v5 =	vld [tilespmem:s6+$0xFFFFFF60];
	[tilespmem:s10+$0xFFFFFFE0] =	vst v4  }
0x168: {  	[tilespmem:s10+$0xFFFFFF50] =	vst v1;
	v1 =	vld [tilespmem:s11+$0xFFFFFF80]  }
0x169: {  	[tilespmem:s10+$0xFFFFFE50] =	vst v3;
	v6 =	vld [tilespmem:s6+$0xFFFFFFA0]  }
0x16a: {  	v7 =	vld [tilespmem:s6+$0xFFFFFF20];
	[tilespmem:s17+$0xFFFFFE70] =	vst v2  }
0x16b: {  	[tilespmem:s17+$0x0] =	vst v0;
	v0 =	vld [tilespmem:s11+$0xFFFFFF40]  }
0x16c: {  	[tilespmem:s10+$0xFFFFFEE0] =	vst v5;
	v2 =	vld [tilespmem:s6+$0xFFFFFFF0]  }
0x16d: {  	v3 =	vld [tilespmem:s6+$0xFFFFFF70];
	[tilespmem:s17+$0xFFFFFF00] =	vst v1  }
0x16e: {  	v1 =	vld [tilespmem:s11+$0xFFFFFFC0];
	[tilespmem:s10+$0xFFFFFF60] =	vst v6  }
0x16f: {  	s31 =	simm.s32 $0xC6F0;
	[tilespmem:s10+$0xFFFFFE60] =	vst v7;
	s11 =	simm.s32 $0x4;
	v4 =	vld [tilespmem:s6+$0xFFFFFFB0]  }
.LBB2_23:
0x170: {  	v5 =	vld [tilespmem:s31+$0xFFFFFFD0];
	s11 =	sadd.s32 $0x4, s11;
	[tilespmem:s17+$0xFFFFFE80] =	vst v0  }
0x171: {  	v0 =	vld [tilespmem:s31+$0xFFFFFF50];
	p0 =	slt.u32 s11, $0x7C;
	[tilespmem:s10+$0xFFFFFFF0] =	vst v2  }
0x172: {  	[tilespmem:s10+$0xFFFFFEF0] =	vst v3;
	v2 =	vld [tilespmem:s6+$0x0]  }
0x173: {  	v3 =	vld [tilespmem:s31+$0xFFFFFF90];
	[tilespmem:s17+$0xFFFFFF80] =	vst v1;
	s17 =	smov.u32 s10  }
0x174: {  	s10 =	sadd.s32 $0x200, s10;
	v1 =	vld [tilespmem:s31+$0xFFFFFF10];
	[tilespmem:s17+$0xFFFFFF70] =	vst v4  }
0x175: {  	[tilespmem:s10+$0xFFFFFFD0] =	vst v5;
	v4 =	vld [tilespmem:s6+$0xFFFFFF30]  }
0x176: {  	[tilespmem:s10+$0xFFFFFED0] =	vst v0;
	v0 =	vld [tilespmem:s31+$0xFFFFFFE0]  }
0x177: {  	v5 =	vld [tilespmem:s31+$0xFFFFFF60];
	[tilespmem:s17+$0x0] =	vst v2  }
0x178: {  	[tilespmem:s10+$0xFFFFFF50] =	vst v3;
	v6 =	vld [tilespmem:s6+$0xFFFFFF80]  }
0x179: {  	[tilespmem:s10+$0xFFFFFE50] =	vst v1;
	v1 =	vld [tilespmem:s31+$0xFFFFFFA0]  }
0x17a: {  	v7 =	vld [tilespmem:s31+$0xFFFFFF20];
	[tilespmem:s17+$0xFFFFFE70] =	vst v4  }
.Ltmp15:
0x17b: {  	[tilespmem:s10+$0xFFFFFFE0] =	vst v0;
	v0 =	vld [tilespmem:s6+$0xFFFFFF40];
	(pc) =	sbr.rel @p0 .LBB2_23-.Ltmp15, $4  }
0x17c: {  	[tilespmem:s10+$0xFFFFFEE0] =	vst v5;
	v2 =	vld [tilespmem:s31+$0xFFFFFFF0]  }
0x17d: {  	v3 =	vld [tilespmem:s31+$0xFFFFFF70];
	[tilespmem:s17+$0xFFFFFF00] =	vst v6  }
0x17e: {  	[tilespmem:s10+$0xFFFFFF60] =	vst v1;
	v1 =	vld [tilespmem:s6+$0xFFFFFFC0];
	s6 =	smov.u32 s31  }
0x17f: {  	s31 =	sadd.s32 $0x100, s31;
	[tilespmem:s10+$0xFFFFFE60] =	vst v7;
	v4 =	vld [tilespmem:s6+$0xFFFFFFB0]  }
0x180: {  	v5 =	vld [tilespmem:s6+$0xFFFFFF30];
	_ =	sdelay $0x1  }
0x181: {  	[tilespmem:s10+$0xFFFFFFF0] =	vst v2  }
0x182: {  	[tilespmem:s10+$0xFFFFFEF0] =	vst v3;
	v2 =	vld [tilespmem:s6+$0x0]  }
0x183: {  	v3 =	vld [tilespmem:s6+$0xFFFFFF80];
	[tilespmem:s10+$0xFFFFFF70] =	vst v4  }
0x184: {  	[tilespmem:s10+$0xFFFFFE70] =	vst v5;
	v63 =	vld [tilespmem:s6+$0xFFFFFFC0]  }
0x185: {  	[tilespmem:s17+$0xFFFFFE80] =	vst v0;
	v62 =	vld [tilespmem:s6+$0xFFFFFF40]  }
0x186: {  	p0 =	seq.s32 s0, $0x31;
	[tilespmem:s17+$0xFFFFFF80] =	vst v1  }
.Ltmp16:
0x187: {  	s31 =	sadd.s32 s15, s9;
	[tilespmem:s10+$0x0] =	vst v2;
	(pc) =	sbr.rel @p0 .LBB2_26-.Ltmp16, $4  }
0x188: {  	s6 =	sshll.u32 s31, $0xB;
	[tilespmem:s10+$0xFFFFFF00] =	vst v3  }
0x189: {  	s6 =	sand.u32 $0x1FFFF800, s6;
	[tilespmem:s10+$0xFFFFFF80] =	vst v63  }
0x18a: {  	s6 =	sadd.s32 s5, s6;
	[tilespmem:s10+$0xFFFFFE80] =	vst v62  }
0x18b: {  	[hbm4b:s6+s2] =	stream.linear.scatter [tilespmem:s30], [sflag:$0x8], $0x4000, $0x38;
	[tilespmem:$0x1E400] =	vst v63  }
.Ltmp17:
0x18c: {  	(pc) =	sbr.rel .LBB2_4-.Ltmp17, $4  }
0x18d: {  	s6 =	sshll.u32 s0, $0x9  }
0x18e: {  	s6 =	sand.u32 $0x3FFFFE00, s6  }
0x18f: {  	s0 =	sadd.s32 $0x1, s0;
	s6 =	sadd.s32 $0x380, s6  }
0x190: {  	[tilespmem:s18], [sflag:$0x4] =	stream.indirect.gather [hbm4b:s4+s12], $0x40, s6, s12, $0xb8;
	[tilespmem:$0x1E400] =	vst v63  }
.LBB2_27:
0x191: {  	_ =	sfence.sel $0x180000  }
0x192: {  	[bflag:$0x0] =	sbarrier.arrive $0xFFFF  }
0x193: {  	_ =	strace $0x90000047  }
0x194: {  	s0 =	stileid.u32;
	[bflag:$0x2] =	sbarrier.arrive $0xFFFF  }
0x195: {  	p0 =	sne.s32 s0, $0x0;
	s0 =	rddreg [dreg:$0x2]  }
0x196: {  	s0 =	sadd.s32 @!p0 $0x100000, s0  }
0x197: {  	[sflag:s0] =	ssyncadd.tile.s32 @!p0 $0x1;
	_ =	shalt  }
.Lfunc_end2:
_tile_overlayer_lowered:
.L_overlay_start_2:
0x198: {  	(tag) =	ssettag $0x2  }
0x199: {  	s0 =	rddreg [dreg:$0x0];
	s2 =	stileid.u32  }
0x19a: {  	s1 =	rddreg [dreg:$0x1];
	p0 =	sne.s32 s2, $0x0  }
0x19b: {  	s3 =	rddreg [dreg:$0x2];
	[bflag:$0x3] =	sbarrier.arrive $0xFFFF;
	s2 =	simm.s32 @!p0 $0x1C09  }
0x19c: {  	[timem:s3], [sflag:s2] =	dma.local @!p0 [hbm:s0], s1  }
0x19d: {  	s0 =	simm.s32 @!p0 $0x9  }
0x19e: {  	_ =	swait.ge @!p0 [sflag:s0], s1  }
0x19f: {  	s1 =	ssub.s32 @!p0 $0x0, s1;
	[sflag:s0] =	ssyncset.done @!p0 $0x0  }
0x1a0: {  	[sflag:s0] =	ssyncadd.s32 @!p0 s1  }
0x1a1: {  	[bflag:$0x3] =	sbarrier.arrive $0xFFFF  }
0x1a2: {  	_ =	shalt  }

// kernel: sparse-core-data-format-call.cloned.1.call-start
scs
called_computation_lowered:
.L_overlay_start_0:
0x0: {  	s2 =	sld [smem:$0x3FD9]  }
0x1: {  	s3 =	sld [smem:$0x3FFE];
	_ =	sdelay $0x1  }
0x2: {  	s1 =	srdreg.scid  }
0x3: {  	s0 =	sand.u32 $0x1, s1  }
0x4: {  	s18 =	sshll.u32 s0, $0xA;
	s2 =	sadd.s32 s3, s2  }
0x5: {  	s2 =	sadd.s32 s2, s18  }
0x6: {  	[smem:$0x3FC6] =	sst s2  }
0x7: {  	_ = 	snop  }
0x8: {  	s2 =	sld [smem:$0x3FD0];
	(tm) =	ssettm $0x1  }
0x9: {  	s19 =	sld [smem:$0x3FFB];
	_ =	sdelay $0x3  }
0xa: {  	_ =	strace s19  }
0xb: {  	s3 =	sld [smem:$0x3FFC];
	_ =	sdelay $0x3  }
0xc: {  	_ =	strace s3  }
0xd: {  	s3 =	sld [smem:$0x3FFD];
	_ =	sdelay $0x3  }
0xe: {  	_ =	strace s3  }
0xf: {  	_ =	strace $0x8FFFFFFF  }
0x10: {  	s20 =	sld [smem:$0x3FDB];
	_ =	sdelay $0x1  }
0x11: {  	s4 =	simm.s32 $_scs_section_size  }
0x12: {  	s5 =	simm.s32 $_size__tile_overlayer_lowered;
	s6 =	simm.s32 $_tile_overlayer_lowered  }
0x13: {  	s23 =	simm.s32 $0x1BFF;
	s22 =	sshll.u32 s6, $0x1;
	s3 =	sadd.s32 s4, s20  }
0x14: {  	s7 =	simm.s32 $0x0;
	s21 =	sshll.u32 s5, $0x1;
	s5 =	sadd.s32 s22, s3  }
0x15: {  	[timem:s7], [sflag:s23] =	dma.local [hbm:s5], s21  }
0x16: {  	_ =	swait.ge [sflag:s23], s21  }
0x17: {  	s4 =	ssub.s32 $0x0, s21;
	[sflag:s23] =	ssyncset.done $0x0  }
0x18: {  	[sflag:s23] =	ssyncadd.s32 s4;
	_ =	sdelay $0x1  }
0x19: {  	s24 =	simm.s32 $0x1B8B  }
0x1a: {  	_ =	swait.ge [sflag:s24], $0x1  }
0x1b: {  	[sflag:s24] =	ssyncset.done $0x0  }
0x1c: {  	s26 =	simm.s32 $0x1B8E;
	s25 =	sld [smem:$0x3FFE];
	[sflag:s24] =	ssyncadd.s32 $0xFFFFFFFF  }
0x1d: {  	s27 =	simm.s32 $execute0_lowered;
	[smem:$0x3FD2] =	sst s26  }
0x1e: {  	s5 =	sshll.u32 s27, $0x1;
	_ =	strace $0x80000049;
	[dreg:$0x1] =	wrdreg $0xFFFFFFFF  }
0x1f: {  	s28 =	simm.s32 $_size_execute0_lowered;
	s3 =	sadd.s32 s3, s5;
	[dreg:$0x0] =	wrdreg $0x0  }
0x20: {  	s5 =	sshll.u32 s28, $0x1;
	[dreg:$0x2] =	wrdreg s3  }
0x21: {  	[dreg:$0x3] =	wrdreg s5  }
0x22: {  	[dreg:$0x4] =	wrdreg $0xC0  }
0x23: {  	_ =	task [dreg:s7], $0x5FFFF  }
0x24: {  	[dreg:$0x1] =	wrdreg $0xFFFFFFFF  }
0x25: {  	[dreg:$0x0] =	wrdreg $0x60  }
0x26: {  	[dreg:$0x2] =	wrdreg s25  }
0x27: {  	[dreg:$0x3] =	wrdreg s2  }
0x28: {  	[dreg:$0x4] =	wrdreg $0x9  }
0x29: {  	_ =	task.clear_ibuf [dreg:s7], $0x5FFFF;
	_ =	strace $0x90000049  }
0x2a: {  	s29 =	simm.s32 $0x9;
	_ =	strace $0x8000004B  }
0x2b: {  	_ =	swait.ge [sflag:s29], $0x1  }
0x2c: {  	[sflag:s29] =	ssyncadd.s32 $0xFFFFFFFF  }
0x2d: {  	_ =	strace $0x9000004B  }
0x2e: {  	_ =	sfence  }
0x2f: {  	s30 =	sld [smem:$0x0];
	_ =	sdelay $0x2  }
0x30: {  	s31 =	sshll.u32 s1, $0xD;
	s1 =	sshrl.u32 s1, $0x2  }
0x31: {  	s3 =	sand.u32 $0x4000, s31;
	s1 =	sadd.s32 s1, s30  }
0x32: {  	s0 =	sor.u32 s3, s0;
	s1 =	sshll.u32 s1, $0x11  }
0x33: {  	s0 =	sor.u32 s1, s0  }
0x34: {  	s0 =	sadd.s32 $0x8F2B, s0  }
0x35: {  	[sflag:s0] =	ssyncadd.remote.s32 $0x1  }
0x36: {  	_ =	sfence.sel $0xFFFF  }
0x37: {  	[dreg:$0x0] =	wrdreg $0xFFFFFFFF;
	(pc) =	sbr.abs _section_cstart, $3  }
0x38: {  	[dreg:$0x1] =	wrdreg $0xFFFFFFFF  }
0x39: {  	_ =	task.clear_ibuf [dreg:s7], $0x2FFFF;
	_ =	strace $0x9FFFFFFF  }
0x3a: {  	(tm) =	ssettm $0x7FFFFFFF  }
0x3b: {  	_ =	shalt  }
tec
execute0_lowered:
.L_overlay_start_1:
0x0: {  	(tag) =	ssettag $0x1  }
0x1: {  	s0 =	srdreg.scid  }
0x2: {  	s1 =	sshll.u32 s0, $0x4  }
0x3: {  	s0 =	stileid.u32;
	s1 =	sand.u32 $0x10, s1  }
0x4: {  	s1 =	sor.u32 s0, s1  }
0x5: {  	s6 =	rddreg [dreg:$0x0];
	s4 =	simm.s32 $0x1;
	s2 =	sshll.u32 s1, $0x7  }
0x6: {  	s7 =	simm.s32 $0x2;
	s12 =	simm.s32 $0x0;
	s1 =	ssub.s32 $0x1000, s2  }
0x7: {  	s8 =	simm.s32 $0x8000;
	s13 =	simm.s32 $0x0;
	s3 =	sand.u32 $0xF80, s1  }
0x8: {  	s9 =	simm.s32 $0x0;
	s5 =	sshrl.u32 s1, $0xC;
	p0 =	sne.s32 s3, $0x0  }
.Ltmp0:
0x9: {  	s1 =	rddreg [dreg:$0x2];
	s4 =	simm.s32 @!p0 $0x0;
	(pc) =	sbr.rel .LBB1_1-.Ltmp0, $4  }
0xa: {  	s11 =	simm.s32 $0x0;
	s3 =	rddreg [dreg:$0x1];
	s5 =	sadd.s32 s4, s5  }
0xb: {  	_ =	strace $0x8000004A;
	s4 =	simm.s32 $0x1;
	s5 =	smul.u32 $0xC8, s5  }
0xc: {  	s6 =	sadd.s32 $0x7C0800, s6;
	s10 =	smov.u32 s2;
	[sflag:s4] =	ssyncpa.u1 $0x0  }
0xd: {  	p0 =	por $0x0, $0x0;
	[sflag:s7] =	ssyncpa.u1 $0x0;
	s7 =	sor.u32 $0x1, s5  }
.LBB1_4:
0xe: {  	s16 =	sshll.u32 s13, $0x3;
	s17 =	sand.u32 $0x78, s13  }
0xf: {  	s30 =	sand.u32 $0x7E00, s13;
	s12 =	sshll.u32 s12, $0xF;
	s16 =	sand.u32 $0xC00, s16  }
0x10: {  	[tilespmem:s15+$0x810 ss:$0x81] =	vst.msk $0xffff, v2;
	s31 =	sand.u32 $0x7, s13;
	s16 =	sor.u32 s17, s16;
	s17 =	sadd.s32 s3, s30  }
0x11: {  	[tilespmem:s15+$0x1020 ss:$0x81] =	vst.msk $0xffff, v0;
	s13 =	sshll.u32 s31, $0x12;
	s12 =	sadd.s32 s12, s17;
	s16 =	sshrl.u32 s16, $0x3  }
0x12: {  	[tilespmem:s15+$0x0 ss:$0x81] =	vst.msk $0xffff, v1;
	s13 =	sor.u32 $0x400, s13;
	s12 =	sadd.s32 s16, s12  }
0x13: {  	[hbm4b:s12+s13] =	stream.strided.scatter [tilespmem:s14], [sflag:$0x2], $0x2000, s8, s13, $0x20;
	[tilespmem:$0x8080] =	vst v63  }
.LBB1_5:
0x14: {  	s14 =	sadd.s32 $0x1, s9  }
0x15: {  	s12 =	sadd.s32 $0x1000, s10;
	s16 =	smov.u32 s10;
	p2 =	sgt.s32 s14, $0xC7  }
0x16: {  	s16 =	smov.u32 @p2 s12  }
0x17: {  	s14 =	simm.s32 @p2 $0x0;
	p2 =	sgt.s32 s16, $0xFFF  }
0x18: {  	s16 =	smov.u32 @p2 s2;
	p2 =	sne.s32 s11, s7  }
.Ltmp1:
0x19: {  	p1 =	slt.u32 s11, $0x2;
	(pc) =	sbr.rel @!p2 .LBB1_6-.Ltmp1, $4  }
0x1a: {  	s15 =	simm.s32 @!p1 $0x2  }
0x1b: {  	s13 =	smov.u32 s10;
	p0 =	por !p0, !p0;
	_ =	swait.ge @!p1 [sflag:s15], $0x2000  }
0x1c: {  	s12 =	smov.u32 s9;
	[sflag:s15] =	ssyncset.done @!p1 $0x0;
	s9 =	smov.u32 s14  }
0x1d: {  	s11 =	sadd.s32 $0x1, s11;
	[sflag:s15] =	ssyncadd.s32 @!p1 $0xFFFFE000;
	s10 =	smov.u32 s16  }
.LBB1_1:
0x1e: {  	p1 =	sge.u32 s11, s5  }
0x1f: {  	s14 =	sand.u32 @!p1 $0x1FFFFFF, s9  }
0x20: {  	s15 =	smulhi.u32 @!p1 $0x147AE15, s14;
	_ =	sdelay $0x1  }
0x21: {  	s15 =	smul.u32 @!p1 $0xC8, s15  }
0x22: {  	s16 =	sxor.u32 @!p1 $0xFFFFFFFF, s11;
	s17 =	smul.u32 @!p1 $0xC80, s10  }
0x23: {  	s31 =	sadd.s32 $0xFFFFFFFF, s11;
	s16 =	sshll.u32 @!p1 s16, $0xD;
	s14 =	ssub.s32 @!p1 s14, s15  }
0x24: {  	s15 =	sand.u32 @!p1 $0x2000, s16;
	s16 =	sadd.s32 @!p1 s6, s17;
	s14 =	sshll.u32 @!p1 s14, $0x4  }
0x25: {  	s17 =	simm.s32 @!p1 $0x6400;
	s14 =	sadd.s32 @!p1 s14, s16;
	s16 =	simm.s32 @!p1 $0x40  }
0x26: {  	[tilespmem:s15], [sflag:$0x1] =	stream.strided.gather @!p1 [hbm4b:s14+s16], $0x2000, s17, s16, $0x38;
	[tilespmem:$0x8080] =	vst v63  }
0x27: {  	p1 =	sge.u32 s31, s5  }
.Ltmp2:
0x28: {  	_ = 	snop;
	(pc) =	sbr.rel @p1 .LBB1_5-.Ltmp2, $1  }
0x29: {  	_ =	sdelay $0x3  }
0x2a: {  	s14 =	simm.s32 $0x1  }
0x2b: {  	_ =	swait.ge [sflag:s4], $0x2000;
	s14 =	simm.s32 @!p0 $0x0  }
0x2c: {  	[sflag:s4] =	ssyncset.done $0x0;
	s15 =	sshll.u32 s14, $0xD  }
0x2d: {  	[sflag:s4] =	ssyncadd.s32 $0xFFFFE000;
	s18 =	sor.u32 $0x20, s15  }
0x2e: {  	s14 =	smul.u32 $0x8100, s14;
	v3 =	vld [tilespmem:s18+$0x10]  }
0x2f: {  	s30 =	sand.u32 $0x1, s11;
	v2 =	vld [tilespmem:s18+$0xFFFFFFF0]  }
0x30: {  	s15 =	smul.u32 $0x8100, s30;
	s14 =	sshrl.u32 s14, $0x2;
	v0 =	vld [tilespmem:s18+$0x0]  }
0x31: {  	v1 =	vld [tilespmem:s18+$0xFFFFFFE0];
	s16 =	sor.u32 $0x4000, s14  }
0x32: {  	s31 =	sshrl.u32 s15, $0x2;
	s15 =	sadd.s32 $0x0, s16  }
0x33: {  	s17 =	simm.s32 $0x4;
	s18 =	sadd.s32 $0x40, s18;
	s14 =	sor.u32 $0x4000, s31;
	[tilespmem:s15+$0x1830 ss:$0x81] =	vst.msk $0xffff, v3  }
.LBB1_3:
0x34: {  	v3 =	vld [tilespmem:s18+$0x10];
	p1 =	sne.s32 s17, $0x1FC;
	[tilespmem:s15+$0x810 ss:$0x81] =	vst.msk $0xffff, v2;
	s19 =	smov.u32 s17;
	s17 =	sadd.s32 $0x4, s17  }
.Ltmp3:
0x35: {  	v2 =	vld [tilespmem:s18+$0xFFFFFFF0];
	[tilespmem:s15+$0x1020 ss:$0x81] =	vst.msk $0xffff, v0;
	(pc) =	sbr.rel @p1 .LBB1_3-.Ltmp3, $4  }
0x36: {  	v0 =	vld [tilespmem:s18+$0x0];
	[tilespmem:s15+$0x0 ss:$0x81] =	vst.msk $0xffff, v1  }
0x37: {  	s15 =	sshra.s32 s19, $0x2;
	v1 =	vld [tilespmem:s18+$0xFFFFFFE0]  }
0x38: {  	s15 =	sadd.s32 s15, s16  }
0x39: {  	s18 =	sadd.s32 $0x40, s18;
	[tilespmem:s15+$0x1830 ss:$0x81] =	vst.msk $0xffff, v3  }
.Ltmp4:
0x3a: {  	_ = 	snop;
	(pc) =	sbr.rel .LBB1_4-.Ltmp4, $1  }
0x3b: {  	_ =	sdelay $0x3  }
.LBB1_6:
0x3c: {  	_ =	sfence.sel $0x180000  }
0x3d: {  	s2 =	simm.s32 $0x1;
	[bflag:$0x0] =	sbarrier.arrive $0xFFFF  }
0x3e: {  	s31 =	simm.s32 $0x2;
	[sflag:s2] =	ssyncpa.u1 $0x1  }
0x3f: {  	[sflag:s31] =	ssyncpa.u1 $0x1  }
0x40: {  	p0 =	sne.s32 s0, $0x0;
	_ =	strace $0x9000004A  }
0x41: {  	s0 =	sadd.s32 @!p0 $0x100000, s1;
	[bflag:$0x2] =	sbarrier.arrive $0xFFFF  }
0x42: {  	[sflag:s0] =	ssyncadd.tile.s32 @!p0 $0x1;
	_ =	shalt  }
.Lfunc_end1:
_tile_overlayer_lowered:
.L_overlay_start_2:
0x43: {  	(tag) =	ssettag $0x2  }
0x44: {  	s0 =	rddreg [dreg:$0x0];
	s2 =	stileid.u32  }
0x45: {  	s1 =	rddreg [dreg:$0x1];
	p0 =	sne.s32 s2, $0x0  }
0x46: {  	s3 =	rddreg [dreg:$0x2];
	[bflag:$0x3] =	sbarrier.arrive $0xFFFF;
	s2 =	simm.s32 @!p0 $0x1C01  }
0x47: {  	[timem:s3], [sflag:s2] =	dma.local @!p0 [hbm:s0], s1  }
0x48: {  	s0 =	simm.s32 @!p0 $0x1  }
0x49: {  	_ =	swait.ge @!p0 [sflag:s0], s1  }
0x4a: {  	s1 =	ssub.s32 @!p0 $0x0, s1;
	[sflag:s0] =	ssyncset.done @!p0 $0x0  }
0x4b: {  	[sflag:s0] =	ssyncadd.s32 @!p0 s1  }
0x4c: {  	[bflag:$0x3] =	sbarrier.arrive $0xFFFF  }
0x4d: {  	_ =	shalt  }

</sc_bundles>
